<compile_context>
chip_gen: v7x
topology: tpu7x:2x2x1
jax: 0.10.2.dev20260603
libtpu: 0.0.44.dev20260713+nightly
codegen_flags: <defaults>
</compile_context>

<pallas_src>
import functools

import numpy as np
import jax
import jax.numpy as jnp
from jax import lax
from jax.experimental import pallas as pl
from jax.experimental.pallas import tpu as pltpu
from jax.experimental.pallas import tpu_sc as plsc

XS = 256
HS = XS // 2
NPIX = XS * XS
NB = 16
NPTS = 100000
NC, NS, L = 2, 16, 16
HALF = NPTS // 2
CHUNK = 10000
NCHUNK = HALF // CHUNK
GROUPS = CHUNK // L
UNROLL = 5

_j = np.arange(XS)
_th = (2.0 * np.pi / XS) * (np.outer(_j, _j) % XS)
_WR = np.cos(_th).astype(np.float32)
_WI = np.sin(_th).astype(np.float32)
_WRmWI = (_WR.astype(np.float64) - _WI).astype(np.float32)
_WRpWI = (_WR.astype(np.float64) + _WI).astype(np.float32)
_v = np.arange(HS)
_thc = (2.0 * np.pi / XS) * (np.outer(_j, _v) % XS)
_CC = np.cos(_thc).astype(np.float32)
_SC = np.sin(_thc).astype(np.float32)
_thd = (2.0 * np.pi / XS) * (np.outer(_v, _j) % XS)
_coef = np.full((HS, 1), 2.0); _coef[0] = 1.0
_DC = (_coef * np.cos(_thd) / NPIX).astype(np.float32)
_DS = (_coef * np.sin(_thd) / NPIX).astype(np.float32)



_mesh = plsc.VectorSubcoreMesh(core_axis_name="c", subcore_axis_name="s")


@functools.partial(
    pl.kernel,
    out_type=jax.ShapeDtypeStruct((NC * NB * NPIX,), jnp.float32),
    mesh=_mesh,
    scratch_types=[
        pltpu.VMEM((NPIX,), jnp.float32),
        pltpu.VMEM((3 * CHUNK,), jnp.float32),
        pltpu.VMEM((3 * CHUNK,), jnp.float32),
        pltpu.SemaphoreType.DMA,
        pltpu.SemaphoreType.DMA,
    ],
    compiler_params=pltpu.CompilerParams(needs_layout_passes=False),
)
def _sc_scatter(cx_hbm, cy_hbm, w_hbm, out_hbm, acc, buf0, buf1, sem0, sem1):
    c = lax.axis_index("c")
    s = lax.axis_index("s")
    base = s * NPTS + c * HALF
    bufs = (buf0, buf1)
    sems = (sem0, sem1)

    @plsc.parallel_loop(0, NPIX // L, 1, unroll=4)
    def _zero(i):
        acc[pl.ds(i * L, L)] = jnp.zeros((L,), jnp.float32)

    def _copies(k, slot):
        off = base + k * CHUNK
        buf = bufs[slot]
        return (
            pltpu.make_async_copy(
                cx_hbm.at[pl.ds(off, CHUNK)], buf.at[pl.ds(0, CHUNK)], sems[slot]),
            pltpu.make_async_copy(
                cy_hbm.at[pl.ds(off, CHUNK)], buf.at[pl.ds(CHUNK, CHUNK)], sems[slot]),
            pltpu.make_async_copy(
                w_hbm.at[pl.ds(off, CHUNK)], buf.at[pl.ds(2 * CHUNK, CHUNK)], sems[slot]),
        )

    def _issue(k, slot):
        for cp in _copies(k, slot):
            cp.start()

    def _drain(slot):
        for cp in _copies(0, slot):
            cp.wait()

    def _compute(slot):
        buf = bufs[slot]

        def one_group(off):
            x = buf[pl.ds(off, L)]
            y = buf[pl.ds(CHUNK + off, L)]
            w = buf[pl.ds(2 * CHUNK + off, L)]
            px = x * (XS - 1.0)
            py = y * (XS - 1.0)
            ix0 = px.astype(jnp.int32)
            iy0 = py.astype(jnp.int32)
            fx = px - ix0.astype(jnp.float32)
            fy = py - iy0.astype(jnp.float32)
            gx = 1.0 - fx
            gy = 1.0 - fy
            i00 = lax.shift_left(iy0, 8) + ix0
            wgy = w * gy
            wfy = w * fy
            plsc.addupdate_scatter(acc, [i00], wgy * gx)
            plsc.addupdate_scatter(acc, [i00 + 1], wgy * fx)
            plsc.addupdate_scatter(acc, [i00 + XS], wfy * gx)
            plsc.addupdate_scatter(acc, [i00 + (XS + 1)], wfy * fx)

        @plsc.parallel_loop(0, GROUPS, 1, unroll=UNROLL)
        def _groups(j):
            one_group(j * L)

    _issue(0, 0)
    for k in range(NCHUNK):
        slot = k % 2
        _drain(slot)
        if k + 1 < NCHUNK:
            _issue(k + 1, (k + 1) % 2)
        _compute(slot)

    slot_id = c * NB + s
    pltpu.sync_copy(acc, out_hbm.at[pl.ds(slot_id * NPIX, NPIX)])




def _ctf_body(p0_ref, p1_ref, wr_ref, wi_ref, wm_ref, wp_ref, cc_ref, sc_ref,
              dc_ref, ds_ref, ctf_ref, dec_ref, out_ref):
    img = p0_ref[0] + p1_ref[0]
    dec_ref[0] = img
    wr = wr_ref[...]
    wi = wi_ref[...]

    def dot(a, b):
        return lax.dot(a, b, precision=lax.Precision.DEFAULT,
                       preferred_element_type=jnp.float32)

    ar = dot(img, cc_ref[...])
    ai = -dot(img, sc_ref[...])
    m1 = dot(wr, ar)
    m2 = dot(wi, ai)
    m3 = dot(wm_ref[...], ar + ai)
    fr = m1 + m2
    fi = m3 - m1 + m2
    cfull = ctf_ref[0]
    cm = cfull[:, :HS]
    gr = fr * cm
    gi = fi * cm
    n1 = dot(wr, gr)
    n2 = dot(wi, gi)
    n3 = dot(wp_ref[...], gr + gi)
    qr = n1 - n2
    qi = n3 - n1 - n2
    o = dot(qr, dc_ref[...]) - dot(qi, ds_ref[...])
    lane = lax.broadcasted_iota(jnp.int32, (XS, XS), 1)
    altm = jnp.where((lane & 1) == 0, 1.0, -1.0).astype(jnp.float32)
    t = jnp.sum(img * altm, axis=1)
    fr128 = jnp.sum(wr * t[:, None], axis=0)
    fi128 = -jnp.sum(wi * t[:, None], axis=0)
    c128 = cfull[:, HS]
    gr128 = fr128 * c128
    gi128 = fi128 * c128
    qr128 = (jnp.sum(wr * gr128[:, None], axis=0)
             - jnp.sum(wi * gi128[:, None], axis=0))
    out_ref[0] = o + (qr128 * (1.0 / NPIX))[:, None] * altm


_ctf_call = pl.pallas_call(
    _ctf_body,
    grid=(NB,),
    in_specs=[
        pl.BlockSpec((1, XS, XS), lambda b: (b, 0, 0)),
        pl.BlockSpec((1, XS, XS), lambda b: (b, 0, 0)),
        pl.BlockSpec((XS, XS), lambda b: (0, 0)),
        pl.BlockSpec((XS, XS), lambda b: (0, 0)),
        pl.BlockSpec((XS, XS), lambda b: (0, 0)),
        pl.BlockSpec((XS, XS), lambda b: (0, 0)),
        pl.BlockSpec((XS, HS), lambda b: (0, 0)),
        pl.BlockSpec((XS, HS), lambda b: (0, 0)),
        pl.BlockSpec((HS, XS), lambda b: (0, 0)),
        pl.BlockSpec((HS, XS), lambda b: (0, 0)),
        pl.BlockSpec((1, XS, HS + 1), lambda b: (b, 0, 0)),
    ],
    out_specs=[
        pl.BlockSpec((1, XS, XS), lambda b: (b, 0, 0)),
        pl.BlockSpec((1, XS, XS), lambda b: (b, 0, 0)),
    ],
    out_shape=[
        jax.ShapeDtypeStruct((NB, XS, XS), jnp.float32),
        jax.ShapeDtypeStruct((NB, XS, XS), jnp.float32),
    ],
)


def kernel(c_x, c_y, weights, ctf):
    cx = c_x.reshape(-1)
    cy = c_y.reshape(-1)
    w = weights.reshape(-1)
    part = _sc_scatter(cx, cy, w).reshape(NC, NB, XS, XS)

    decoded, decoded_ctf = _ctf_call(
        part[0], part[1], jnp.asarray(_WR), jnp.asarray(_WI),
        jnp.asarray(_WRmWI), jnp.asarray(_WRpWI), jnp.asarray(_CC),
        jnp.asarray(_SC), jnp.asarray(_DC), jnp.asarray(_DS), ctf)
    return (decoded, decoded_ctf)

# --- scband reference (transcript-rebuilt; emitter-appended) ---
"""Pipeline reference for scband-auto-encoder-35278861369470 (READ-ONLY COPY).

The authoritative reference and input builder live on the scoring server;
editing this copy changes nothing except your own understanding.
"""

import jax, jax.numpy as jnp
import numpy as np

XSIZE = 256


def setup_inputs(seed: int = 0) -> dict:
    key = jax.random.key(seed)
    k1, k2, k3, k4 = jax.random.split(key, 4)
    B, N = 16, 100000
    c_x = jax.random.uniform(k1, (B, N), dtype=jnp.float32)
    c_y = jax.random.uniform(k2, (B, N), dtype=jnp.float32)
    weights = jax.random.uniform(k3, (B, N), dtype=jnp.float32)
    ctf = jax.random.uniform(k4, (B, XSIZE, XSIZE // 2 + 1), dtype=jnp.float32)
    return {"c_x": c_x, "c_y": c_y, "weights": weights, "ctf": ctf}


def _scatter_img_by_pass(c_x, c_y, weights, xsize):
    # Bilinear scatter of weighted points into per-particle images
    # (faithful to generator.scatterImgByPass: coords -> pixel grid -> scatter-add).
    B, N = c_x.shape
    px = c_x * (xsize - 1)
    py = c_y * (xsize - 1)
    ix0f = jnp.floor(px)
    iy0f = jnp.floor(py)
    fx = px - ix0f
    fy = py - iy0f
    ix0 = jnp.clip(ix0f.astype(jnp.int32), 0, xsize - 1)
    iy0 = jnp.clip(iy0f.astype(jnp.int32), 0, xsize - 1)
    ix1 = jnp.clip(ix0 + 1, 0, xsize - 1)
    iy1 = jnp.clip(iy0 + 1, 0, xsize - 1)
    batch_off = (jnp.arange(B, dtype=jnp.int32) * xsize * xsize)[:, None]
    flat = jnp.zeros((B * xsize * xsize,), dtype=jnp.float32)

    def add(buf, iy, ix, w):
        idx = (batch_off + iy * xsize + ix).reshape(-1)
        return buf.at[idx].add(w.reshape(-1))

    flat = add(flat, iy0, ix0, weights * (1.0 - fx) * (1.0 - fy))
    flat = add(flat, iy0, ix1, weights * fx * (1.0 - fy))
    flat = add(flat, iy1, ix0, weights * (1.0 - fx) * fy)
    flat = add(flat, iy1, ix1, weights * fx * fy)
    return flat.reshape(B, xsize, xsize)


def _ctf_filter_image(img, ctf):
    F = jnp.fft.rfft2(img)
    return jnp.fft.irfft2(F * ctf.astype(F.dtype), s=(img.shape[-2], img.shape[-1]))


def reference(c_x, c_y, weights, ctf):
    decoded = _scatter_img_by_pass(c_x, c_y, weights, XSIZE)
    decoded_ctf = _ctf_filter_image(decoded, ctf)
    return (decoded, decoded_ctf)

if __name__ == "__main__":
    import jax
    _d = setup_inputs()
    print(jax.jit(kernel)(*tuple(_d.values())))

</pallas_src>

<mosaic_0001>
#map = affine_map<(d0, d1) -> (0)>
module attributes {stable_mosaic.version = 14 : i64} {
  func.func @_sc_scatter(%arg0: i32, %arg1: i32, %arg2: memref<1600000xf32, #tpu.memory_space<hbm>>, %arg3: memref<1600000xf32, #tpu.memory_space<hbm>>, %arg4: memref<1600000xf32, #tpu.memory_space<hbm>>, %arg5: memref<2097152xf32, #tpu.memory_space<hbm>>, %arg6: memref<65536xf32, #tpu.memory_space<vmem>>, %arg7: memref<30000xf32, #tpu.memory_space<vmem>>, %arg8: memref<30000xf32, #tpu.memory_space<vmem>>, %arg9: memref<!tpu.dma_semaphore, #tpu.memory_space<semaphore_mem>>, %arg10: memref<!tpu.dma_semaphore, #tpu.memory_space<semaphore_mem>>) attributes {dimension_semantics = [#tpu.dimension_semantics<core_parallel>, #tpu.dimension_semantics<subcore_parallel>], iteration_bounds = array<i64: 2, 16>, scalar_prefetch = 0 : i64, scratch_operands = 5 : i64, tpu.core_type = #tpu.core_type<sc_vector_subcore>, window_params = [{transform_indices = #map}, {transform_indices = #map}, {transform_indices = #map}, {transform_indices = #map}]} {
    %mul3A = arith.constant 100000 : i32
    %mul3A_0 = arith.muli %arg1, %mul3A : i32
    %mul3A_1 = arith.constant 50000 : i32
    %mul3A_2 = arith.muli %arg0, %mul3A_1 : i32
    %add3A = arith.addi %mul3A_0, %mul3A_2 : i32
    %parallel_loop3A = arith.constant 0 : i32
    %parallel_loop3A_3 = arith.constant 4096 : i32
    %parallel_loop3A_4 = arith.constant 1 : i32
    scf.for %parallel_loop3A_223 = %parallel_loop3A to %parallel_loop3A_3 step %parallel_loop3A_4  : i32 {
      %parallel_loop3A_224 = arith.constant 0.000000e+00 : f32
      %parallel_loop3A_225 = vector.broadcast %parallel_loop3A_224 : f32 to vector<16xf32>
      %parallel_loop3A_226 = arith.constant 16 : i32
      %parallel_loop3A_227 = arith.muli %parallel_loop3A_223, %parallel_loop3A_226 : i32
      %parallel_loop3A_228 = arith.index_cast %parallel_loop3A_227 : i32 to index
      %parallel_loop3A_229 = tpu.vector_load %arg6[%parallel_loop3A_228] {strides = array<i32>} : memref<65536xf32, #tpu.memory_space<vmem>>, vector<16xf32>,
      tpu.vector_store %arg6[%parallel_loop3A_228], %parallel_loop3A_225 {strides = array<i32>} : memref<65536xf32, #tpu.memory_space<vmem>>, vector<16xf32>,
    } {sc.loop_unroll_factor = 4 : i64, sc.parallel_access}
    %add3A_5 = arith.constant 0 : i32
    %add3A_6 = arith.addi %add3A, %add3A_5 : i32
    %dma_start3A = arith.constant 0 : i32
    %dma_start3A_7 = tpu.memref_slice %arg7[%dma_start3A] : memref<30000xf32, #tpu.memory_space<vmem>> -> memref<10000xf32, #tpu.memory_space<vmem>>
    %dma_start3A_8 = tpu.memref_slice %arg2[%add3A_6] : memref<1600000xf32, #tpu.memory_space<hbm>> -> memref<10000xf32, #tpu.memory_space<hbm>>
    %dma_start3A_9 = arith.constant 0 : i32
    %dma_start3A_10 = tpu.memref_slice %arg7[%dma_start3A_9] : memref<30000xf32, #tpu.memory_space<vmem>> -> memref<10000xf32, #tpu.memory_space<vmem>>
    %dma_start3A_11 = tpu.memref_slice %arg2[%add3A_6] : memref<1600000xf32, #tpu.memory_space<hbm>> -> memref<10000xf32, #tpu.memory_space<hbm>>
    tpu.enqueue_dma source(%dma_start3A_11 : memref<10000xf32, #tpu.memory_space<hbm>>) target(%dma_start3A_10 : memref<10000xf32, #tpu.memory_space<vmem>>) target_semaphore(%arg9 : memref<!tpu.dma_semaphore, #tpu.memory_space<semaphore_mem>>)
    %dma_start3A_12 = arith.constant 10000 : i32
    %dma_start3A_13 = tpu.memref_slice %arg7[%dma_start3A_12] : memref<30000xf32, #tpu.memory_space<vmem>> -> memref<10000xf32, #tpu.memory_space<vmem>>
    %dma_start3A_14 = tpu.memref_slice %arg3[%add3A_6] : memref<1600000xf32, #tpu.memory_space<hbm>> -> memref<10000xf32, #tpu.memory_space<hbm>>
    %dma_start3A_15 = arith.constant 10000 : i32
    %dma_start3A_16 = tpu.memref_slice %arg7[%dma_start3A_15] : memref<30000xf32, #tpu.memory_space<vmem>> -> memref<10000xf32, #tpu.memory_space<vmem>>
    %dma_start3A_17 = tpu.memref_slice %arg3[%add3A_6] : memref<1600000xf32, #tpu.memory_space<hbm>> -> memref<10000xf32, #tpu.memory_space<hbm>>
    tpu.enqueue_dma source(%dma_start3A_17 : memref<10000xf32, #tpu.memory_space<hbm>>) target(%dma_start3A_16 : memref<10000xf32, #tpu.memory_space<vmem>>) target_semaphore(%arg9 : memref<!tpu.dma_semaphore, #tpu.memory_space<semaphore_mem>>)
    %dma_start3A_18 = arith.constant 20000 : i32
    %dma_start3A_19 = tpu.memref_slice %arg7[%dma_start3A_18] : memref<30000xf32, #tpu.memory_space<vmem>> -> memref<10000xf32, #tpu.memory_space<vmem>>
    %dma_start3A_20 = tpu.memref_slice %arg4[%add3A_6] : memref<1600000xf32, #tpu.memory_space<hbm>> -> memref<10000xf32, #tpu.memory_space<hbm>>
    %dma_start3A_21 = arith.constant 20000 : i32
    %dma_start3A_22 = tpu.memref_slice %arg7[%dma_start3A_21] : memref<30000xf32, #tpu.memory_space<vmem>> -> memref<10000xf32, #tpu.memory_space<vmem>>
    %dma_start3A_23 = tpu.memref_slice %arg4[%add3A_6] : memref<1600000xf32, #tpu.memory_space<hbm>> -> memref<10000xf32, #tpu.memory_space<hbm>>
    tpu.enqueue_dma source(%dma_start3A_23 : memref<10000xf32, #tpu.memory_space<hbm>>) target(%dma_start3A_22 : memref<10000xf32, #tpu.memory_space<vmem>>) target_semaphore(%arg9 : memref<!tpu.dma_semaphore, #tpu.memory_space<semaphore_mem>>)
    %add3A_24 = arith.constant 0 : i32
    %add3A_25 = arith.addi %add3A, %add3A_24 : i32
    %dma_wait3A = arith.constant 0 : i32
    %dma_wait3A_26 = tpu.memref_slice %arg7[%dma_wait3A] : memref<30000xf32, #tpu.memory_space<vmem>> -> memref<10000xf32, #tpu.memory_space<vmem>>
    %dma_wait3A_27 = tpu.memref_slice %arg2[%add3A_25] : memref<1600000xf32, #tpu.memory_space<hbm>> -> memref<10000xf32, #tpu.memory_space<hbm>>
    %dma_wait3A_28 = arith.constant 0 : i32
    %dma_wait3A_29 = tpu.memref_slice %arg7[%dma_wait3A_28] : memref<30000xf32, #tpu.memory_space<vmem>> -> memref<10000xf32, #tpu.memory_space<vmem>>
    %dma_wait3A_30 = tpu.memref_slice %arg2[%add3A_25] : memref<1600000xf32, #tpu.memory_space<hbm>> -> memref<10000xf32, #tpu.memory_space<hbm>>
    tpu.wait_dma2 semaphore(%arg9 : memref<!tpu.dma_semaphore, #tpu.memory_space<semaphore_mem>>) src(%dma_wait3A_30 : memref<10000xf32, #tpu.memory_space<hbm>>) dst(%dma_wait3A_29 : memref<10000xf32, #tpu.memory_space<vmem>>)
    %dma_wait3A_31 = arith.constant 10000 : i32
    %dma_wait3A_32 = tpu.memref_slice %arg7[%dma_wait3A_31] : memref<30000xf32, #tpu.memory_space<vmem>> -> memref<10000xf32, #tpu.memory_space<vmem>>
    %dma_wait3A_33 = tpu.memref_slice %arg3[%add3A_25] : memref<1600000xf32, #tpu.memory_space<hbm>> -> memref<10000xf32, #tpu.memory_space<hbm>>
    %dma_wait3A_34 = arith.constant 10000 : i32
    %dma_wait3A_35 = tpu.memref_slice %arg7[%dma_wait3A_34] : memref<30000xf32, #tpu.memory_space<vmem>> -> memref<10000xf32, #tpu.memory_space<vmem>>
    %dma_wait3A_36 = tpu.memref_slice %arg3[%add3A_25] : memref<1600000xf32, #tpu.memory_space<hbm>> -> memref<10000xf32, #tpu.memory_space<hbm>>
    tpu.wait_dma2 semaphore(%arg9 : memref<!tpu.dma_semaphore, #tpu.memory_space<semaphore_mem>>) src(%dma_wait3A_36 : memref<10000xf32, #tpu.memory_space<hbm>>) dst(%dma_wait3A_35 : memref<10000xf32, #tpu.memory_space<vmem>>)
    %dma_wait3A_37 = arith.constant 20000 : i32
    %dma_wait3A_38 = tpu.memref_slice %arg7[%dma_wait3A_37] : memref<30000xf32, #tpu.memory_space<vmem>> -> memref<10000xf32, #tpu.memory_space<vmem>>
    %dma_wait3A_39 = tpu.memref_slice %arg4[%add3A_25] : memref<1600000xf32, #tpu.memory_space<hbm>> -> memref<10000xf32, #tpu.memory_space<hbm>>
    %dma_wait3A_40 = arith.constant 20000 : i32
    %dma_wait3A_41 = tpu.memref_slice %arg7[%dma_wait3A_40] : memref<30000xf32, #tpu.memory_space<vmem>> -> memref<10000xf32, #tpu.memory_space<vmem>>
    %dma_wait3A_42 = tpu.memref_slice %arg4[%add3A_25] : memref<1600000xf32, #tpu.memory_space<hbm>> -> memref<10000xf32, #tpu.memory_space<hbm>>
    tpu.wait_dma2 semaphore(%arg9 : memref<!tpu.dma_semaphore, #tpu.memory_space<semaphore_mem>>) src(%dma_wait3A_42 : memref<10000xf32, #tpu.memory_space<hbm>>) dst(%dma_wait3A_41 : memref<10000xf32, #tpu.memory_space<vmem>>)
    %add3A_43 = arith.constant 10000 : i32
    %add3A_44 = arith.addi %add3A, %add3A_43 : i32
    %dma_start3A_45 = arith.constant 0 : i32
    %dma_start3A_46 = tpu.memref_slice %arg8[%dma_start3A_45] : memref<30000xf32, #tpu.memory_space<vmem>> -> memref<10000xf32, #tpu.memory_space<vmem>>
    %dma_start3A_47 = tpu.memref_slice %arg2[%add3A_44] : memref<1600000xf32, #tpu.memory_space<hbm>> -> memref<10000xf32, #tpu.memory_space<hbm>>
    %dma_start3A_48 = arith.constant 0 : i32
    %dma_start3A_49 = tpu.memref_slice %arg8[%dma_start3A_48] : memref<30000xf32, #tpu.memory_space<vmem>> -> memref<10000xf32, #tpu.memory_space<vmem>>
    %dma_start3A_50 = tpu.memref_slice %arg2[%add3A_44] : memref<1600000xf32, #tpu.memory_space<hbm>> -> memref<10000xf32, #tpu.memory_space<hbm>>
    tpu.enqueue_dma source(%dma_start3A_50 : memref<10000xf32, #tpu.memory_space<hbm>>) target(%dma_start3A_49 : memref<10000xf32, #tpu.memory_space<vmem>>) target_semaphore(%arg10 : memref<!tpu.dma_semaphore, #tpu.memory_space<semaphore_mem>>)
    %dma_start3A_51 = arith.constant 10000 : i32
    %dma_start3A_52 = tpu.memref_slice %arg8[%dma_start3A_51] : memref<30000xf32, #tpu.memory_space<vmem>> -> memref<10000xf32, #tpu.memory_space<vmem>>
    %dma_start3A_53 = tpu.memref_slice %arg3[%add3A_44] : memref<1600000xf32, #tpu.memory_space<hbm>> -> memref<10000xf32, #tpu.memory_space<hbm>>
    %dma_start3A_54 = arith.constant 10000 : i32
    %dma_start3A_55 = tpu.memref_slice %arg8[%dma_start3A_54] : memref<30000xf32, #tpu.memory_space<vmem>> -> memref<10000xf32, #tpu.memory_space<vmem>>
    %dma_start3A_56 = tpu.memref_slice %arg3[%add3A_44] : memref<1600000xf32, #tpu.memory_space<hbm>> -> memref<10000xf32, #tpu.memory_space<hbm>>
    tpu.enqueue_dma source(%dma_start3A_56 : memref<10000xf32, #tpu.memory_space<hbm>>) target(%dma_start3A_55 : memref<10000xf32, #tpu.memory_space<vmem>>) target_semaphore(%arg10 : memref<!tpu.dma_semaphore, #tpu.memory_space<semaphore_mem>>)
    %dma_start3A_57 = arith.constant 20000 : i32
    %dma_start3A_58 = tpu.memref_slice %arg8[%dma_start3A_57] : memref<30000xf32, #tpu.memory_space<vmem>> -> memref<10000xf32, #tpu.memory_space<vmem>>
    %dma_start3A_59 = tpu.memref_slice %arg4[%add3A_44] : memref<1600000xf32, #tpu.memory_space<hbm>> -> memref<10000xf32, #tpu.memory_space<hbm>>
    %dma_start3A_60 = arith.constant 20000 : i32
    %dma_start3A_61 = tpu.memref_slice %arg8[%dma_start3A_60] : memref<30000xf32, #tpu.memory_space<vmem>> -> memref<10000xf32, #tpu.memory_space<vmem>>
    %dma_start3A_62 = tpu.memref_slice %arg4[%add3A_44] : memref<1600000xf32, #tpu.memory_space<hbm>> -> memref<10000xf32, #tpu.memory_space<hbm>>
    tpu.enqueue_dma source(%dma_start3A_62 : memref<10000xf32, #tpu.memory_space<hbm>>) target(%dma_start3A_61 : memref<10000xf32, #tpu.memory_space<vmem>>) target_semaphore(%arg10 : memref<!tpu.dma_semaphore, #tpu.memory_space<semaphore_mem>>)
    %parallel_loop3A_63 = arith.constant 0 : i32
    %parallel_loop3A_64 = arith.constant 625 : i32
    %parallel_loop3A_65 = arith.constant 1 : i32
    scf.for %parallel_loop3A_223 = %parallel_loop3A_63 to %parallel_loop3A_64 step %parallel_loop3A_65  : i32 {
      %parallel_loop3A_224 = arith.constant 16 : i32
      %parallel_loop3A_225 = arith.muli %parallel_loop3A_223, %parallel_loop3A_224 : i32
      %parallel_loop3A_226 = arith.index_cast %parallel_loop3A_225 : i32 to index
      %parallel_loop3A_227 = tpu.vector_load %arg7[%parallel_loop3A_226] {strides = array<i32>} : memref<30000xf32, #tpu.memory_space<vmem>>, vector<16xf32>,
      %parallel_loop3A_228 = arith.constant 10000 : i32
      %parallel_loop3A_229 = arith.addi %parallel_loop3A_228, %parallel_loop3A_225 : i32
      %parallel_loop3A_230 = arith.index_cast %parallel_loop3A_229 : i32 to index
      %parallel_loop3A_231 = tpu.vector_load %arg7[%parallel_loop3A_230] {strides = array<i32>} : memref<30000xf32, #tpu.memory_space<vmem>>, vector<16xf32>,
      %parallel_loop3A_232 = arith.constant 20000 : i32
      %parallel_loop3A_233 = arith.addi %parallel_loop3A_232, %parallel_loop3A_225 : i32
      %parallel_loop3A_234 = arith.index_cast %parallel_loop3A_233 : i32 to index
      %parallel_loop3A_235 = tpu.vector_load %arg7[%parallel_loop3A_234] {strides = array<i32>} : memref<30000xf32, #tpu.memory_space<vmem>>, vector<16xf32>,
      %parallel_loop3A_236 = arith.constant 2.550000e+02 : f32
      %parallel_loop3A_237 = vector.broadcast %parallel_loop3A_236 : f32 to vector<16xf32>
      %parallel_loop3A_238 = arith.mulf %parallel_loop3A_227, %parallel_loop3A_237 : vector<16xf32>
      %parallel_loop3A_239 = arith.constant 2.550000e+02 : f32
      %parallel_loop3A_240 = vector.broadcast %parallel_loop3A_239 : f32 to vector<16xf32>
      %parallel_loop3A_241 = arith.mulf %parallel_loop3A_231, %parallel_loop3A_240 : vector<16xf32>
      %parallel_loop3A_242 = arith.fptosi %parallel_loop3A_238 : vector<16xf32> to vector<16xi32>
      %parallel_loop3A_243 = arith.fptosi %parallel_loop3A_241 : vector<16xf32> to vector<16xi32>
      %parallel_loop3A_244 = arith.sitofp %parallel_loop3A_242 : vector<16xi32> to vector<16xf32>
      %parallel_loop3A_245 = arith.subf %parallel_loop3A_238, %parallel_loop3A_244 : vector<16xf32>
      %parallel_loop3A_246 = arith.sitofp %parallel_loop3A_243 : vector<16xi32> to vector<16xf32>
      %parallel_loop3A_247 = arith.subf %parallel_loop3A_241, %parallel_loop3A_246 : vector<16xf32>
      %parallel_loop3A_248 = arith.constant 1.000000e+00 : f32
      %parallel_loop3A_249 = vector.broadcast %parallel_loop3A_248 : f32 to vector<16xf32>
      %parallel_loop3A_250 = arith.subf %parallel_loop3A_249, %parallel_loop3A_245 : vector<16xf32>
      %parallel_loop3A_251 = arith.constant 1.000000e+00 : f32
      %parallel_loop3A_252 = vector.broadcast %parallel_loop3A_251 : f32 to vector<16xf32>
      %parallel_loop3A_253 = arith.subf %parallel_loop3A_252, %parallel_loop3A_247 : vector<16xf32>
      %parallel_loop3A_254 = arith.constant 8 : i32
      %parallel_loop3A_255 = vector.broadcast %parallel_loop3A_254 : i32 to vector<16xi32>
      %parallel_loop3A_256 = arith.shli %parallel_loop3A_243, %parallel_loop3A_255 : vector<16xi32>
      %parallel_loop3A_257 = arith.addi %parallel_loop3A_256, %parallel_loop3A_242 : vector<16xi32>
      %parallel_loop3A_258 = arith.mulf %parallel_loop3A_235, %parallel_loop3A_253 : vector<16xf32>
      %parallel_loop3A_259 = arith.mulf %parallel_loop3A_235, %parallel_loop3A_247 : vector<16xf32>
      %parallel_loop3A_260 = arith.mulf %parallel_loop3A_258, %parallel_loop3A_250 : vector<16xf32>
      tpu.vector_store_idx %arg6[%parallel_loop3A_257], %parallel_loop3A_260 {add = true} : memref<65536xf32, #tpu.memory_space<vmem>>[vector<16xi32>], vector<16xf32>,
      %parallel_loop3A_261 = arith.constant 1 : i32
      %parallel_loop3A_262 = vector.broadcast %parallel_loop3A_261 : i32 to vector<16xi32>
      %parallel_loop3A_263 = arith.addi %parallel_loop3A_257, %parallel_loop3A_262 : vector<16xi32>
      %parallel_loop3A_264 = arith.mulf %parallel_loop3A_258, %parallel_loop3A_245 : vector<16xf32>
      tpu.vector_store_idx %arg6[%parallel_loop3A_263], %parallel_loop3A_264 {add = true} : memref<65536xf32, #tpu.memory_space<vmem>>[vector<16xi32>], vector<16xf32>,
      %parallel_loop3A_265 = arith.constant 256 : i32
      %parallel_loop3A_266 = vector.broadcast %parallel_loop3A_265 : i32 to vector<16xi32>
      %parallel_loop3A_267 = arith.addi %parallel_loop3A_257, %parallel_loop3A_266 : vector<16xi32>
      %parallel_loop3A_268 = arith.mulf %parallel_loop3A_259, %parallel_loop3A_250 : vector<16xf32>
      tpu.vector_store_idx %arg6[%parallel_loop3A_267], %parallel_loop3A_268 {add = true} : memref<65536xf32, #tpu.memory_space<vmem>>[vector<16xi32>], vector<16xf32>,
      %parallel_loop3A_269 = arith.constant 257 : i32
      %parallel_loop3A_270 = vector.broadcast %parallel_loop3A_269 : i32 to vector<16xi32>
      %parallel_loop3A_271 = arith.addi %parallel_loop3A_257, %parallel_loop3A_270 : vector<16xi32>
      %parallel_loop3A_272 = arith.mulf %parallel_loop3A_259, %parallel_loop3A_245 : vector<16xf32>
      tpu.vector_store_idx %arg6[%parallel_loop3A_271], %parallel_loop3A_272 {add = true} : memref<65536xf32, #tpu.memory_space<vmem>>[vector<16xi32>], vector<16xf32>,
    } {sc.loop_unroll_factor = 5 : i64, sc.parallel_access}
    %add3A_66 = arith.constant 0 : i32
    %add3A_67 = arith.addi %add3A, %add3A_66 : i32
    %dma_wait3A_68 = arith.constant 0 : i32
    %dma_wait3A_69 = tpu.memref_slice %arg8[%dma_wait3A_68] : memref<30000xf32, #tpu.memory_space<vmem>> -> memref<10000xf32, #tpu.memory_space<vmem>>
    %dma_wait3A_70 = tpu.memref_slice %arg2[%add3A_67] : memref<1600000xf32, #tpu.memory_space<hbm>> -> memref<10000xf32, #tpu.memory_space<hbm>>
    %dma_wait3A_71 = arith.constant 0 : i32
    %dma_wait3A_72 = tpu.memref_slice %arg8[%dma_wait3A_71] : memref<30000xf32, #tpu.memory_space<vmem>> -> memref<10000xf32, #tpu.memory_space<vmem>>
    %dma_wait3A_73 = tpu.memref_slice %arg2[%add3A_67] : memref<1600000xf32, #tpu.memory_space<hbm>> -> memref<10000xf32, #tpu.memory_space<hbm>>
    tpu.wait_dma2 semaphore(%arg10 : memref<!tpu.dma_semaphore, #tpu.memory_space<semaphore_mem>>) src(%dma_wait3A_73 : memref<10000xf32, #tpu.memory_space<hbm>>) dst(%dma_wait3A_72 : memref<10000xf32, #tpu.memory_space<vmem>>)
    %dma_wait3A_74 = arith.constant 10000 : i32
    %dma_wait3A_75 = tpu.memref_slice %arg8[%dma_wait3A_74] : memref<30000xf32, #tpu.memory_space<vmem>> -> memref<10000xf32, #tpu.memory_space<vmem>>
    %dma_wait3A_76 = tpu.memref_slice %arg3[%add3A_67] : memref<1600000xf32, #tpu.memory_space<hbm>> -> memref<10000xf32, #tpu.memory_space<hbm>>
    %dma_wait3A_77 = arith.constant 10000 : i32
    %dma_wait3A_78 = tpu.memref_slice %arg8[%dma_wait3A_77] : memref<30000xf32, #tpu.memory_space<vmem>> -> memref<10000xf32, #tpu.memory_space<vmem>>
    %dma_wait3A_79 = tpu.memref_slice %arg3[%add3A_67] : memref<1600000xf32, #tpu.memory_space<hbm>> -> memref<10000xf32, #tpu.memory_space<hbm>>
    tpu.wait_dma2 semaphore(%arg10 : memref<!tpu.dma_semaphore, #tpu.memory_space<semaphore_mem>>) src(%dma_wait3A_79 : memref<10000xf32, #tpu.memory_space<hbm>>) dst(%dma_wait3A_78 : memref<10000xf32, #tpu.memory_space<vmem>>)
    %dma_wait3A_80 = arith.constant 20000 : i32
    %dma_wait3A_81 = tpu.memref_slice %arg8[%dma_wait3A_80] : memref<30000xf32, #tpu.memory_space<vmem>> -> memref<10000xf32, #tpu.memory_space<vmem>>
    %dma_wait3A_82 = tpu.memref_slice %arg4[%add3A_67] : memref<1600000xf32, #tpu.memory_space<hbm>> -> memref<10000xf32, #tpu.memory_space<hbm>>
    %dma_wait3A_83 = arith.constant 20000 : i32
    %dma_wait3A_84 = tpu.memref_slice %arg8[%dma_wait3A_83] : memref<30000xf32, #tpu.memory_space<vmem>> -> memref<10000xf32, #tpu.memory_space<vmem>>
    %dma_wait3A_85 = tpu.memref_slice %arg4[%add3A_67] : memref<1600000xf32, #tpu.memory_space<hbm>> -> memref<10000xf32, #tpu.memory_space<hbm>>
    tpu.wait_dma2 semaphore(%arg10 : memref<!tpu.dma_semaphore, #tpu.memory_space<semaphore_mem>>) src(%dma_wait3A_85 : memref<10000xf32, #tpu.memory_space<hbm>>) dst(%dma_wait3A_84 : memref<10000xf32, #tpu.memory_space<vmem>>)
    %add3A_86 = arith.constant 20000 : i32
    %add3A_87 = arith.addi %add3A, %add3A_86 : i32
    %dma_start3A_88 = arith.constant 0 : i32
    %dma_start3A_89 = tpu.memref_slice %arg7[%dma_start3A_88] : memref<30000xf32, #tpu.memory_space<vmem>> -> memref<10000xf32, #tpu.memory_space<vmem>>
    %dma_start3A_90 = tpu.memref_slice %arg2[%add3A_87] : memref<1600000xf32, #tpu.memory_space<hbm>> -> memref<10000xf32, #tpu.memory_space<hbm>>
    %dma_start3A_91 = arith.constant 0 : i32
    %dma_start3A_92 = tpu.memref_slice %arg7[%dma_start3A_91] : memref<30000xf32, #tpu.memory_space<vmem>> -> memref<10000xf32, #tpu.memory_space<vmem>>
    %dma_start3A_93 = tpu.memref_slice %arg2[%add3A_87] : memref<1600000xf32, #tpu.memory_space<hbm>> -> memref<10000xf32, #tpu.memory_space<hbm>>
    tpu.enqueue_dma source(%dma_start3A_93 : memref<10000xf32, #tpu.memory_space<hbm>>) target(%dma_start3A_92 : memref<10000xf32, #tpu.memory_space<vmem>>) target_semaphore(%arg9 : memref<!tpu.dma_semaphore, #tpu.memory_space<semaphore_mem>>)
    %dma_start3A_94 = arith.constant 10000 : i32
    %dma_start3A_95 = tpu.memref_slice %arg7[%dma_start3A_94] : memref<30000xf32, #tpu.memory_space<vmem>> -> memref<10000xf32, #tpu.memory_space<vmem>>
    %dma_start3A_96 = tpu.memref_slice %arg3[%add3A_87] : memref<1600000xf32, #tpu.memory_space<hbm>> -> memref<10000xf32, #tpu.memory_space<hbm>>
    %dma_start3A_97 = arith.constant 10000 : i32
    %dma_start3A_98 = tpu.memref_slice %arg7[%dma_start3A_97] : memref<30000xf32, #tpu.memory_space<vmem>> -> memref<10000xf32, #tpu.memory_space<vmem>>
    %dma_start3A_99 = tpu.memref_slice %arg3[%add3A_87] : memref<1600000xf32, #tpu.memory_space<hbm>> -> memref<10000xf32, #tpu.memory_space<hbm>>
    tpu.enqueue_dma source(%dma_start3A_99 : memref<10000xf32, #tpu.memory_space<hbm>>) target(%dma_start3A_98 : memref<10000xf32, #tpu.memory_space<vmem>>) target_semaphore(%arg9 : memref<!tpu.dma_semaphore, #tpu.memory_space<semaphore_mem>>)
    %dma_start3A_100 = arith.constant 20000 : i32
    %dma_start3A_101 = tpu.memref_slice %arg7[%dma_start3A_100] : memref<30000xf32, #tpu.memory_space<vmem>> -> memref<10000xf32, #tpu.memory_space<vmem>>
    %dma_start3A_102 = tpu.memref_slice %arg4[%add3A_87] : memref<1600000xf32, #tpu.memory_space<hbm>> -> memref<10000xf32, #tpu.memory_space<hbm>>
    %dma_start3A_103 = arith.constant 20000 : i32
    %dma_start3A_104 = tpu.memref_slice %arg7[%dma_start3A_103] : memref<30000xf32, #tpu.memory_space<vmem>> -> memref<10000xf32, #tpu.memory_space<vmem>>
    %dma_start3A_105 = tpu.memref_slice %arg4[%add3A_87] : memref<1600000xf32, #tpu.memory_space<hbm>> -> memref<10000xf32, #tpu.memory_space<hbm>>
    tpu.enqueue_dma source(%dma_start3A_105 : memref<10000xf32, #tpu.memory_space<hbm>>) target(%dma_start3A_104 : memref<10000xf32, #tpu.memory_space<vmem>>) target_semaphore(%arg9 : memref<!tpu.dma_semaphore, #tpu.memory_space<semaphore_mem>>)
    %parallel_loop3A_106 = arith.constant 0 : i32
    %parallel_loop3A_107 = arith.constant 625 : i32
    %parallel_loop3A_108 = arith.constant 1 : i32
    scf.for %parallel_loop3A_223 = %parallel_loop3A_106 to %parallel_loop3A_107 step %parallel_loop3A_108  : i32 {
      %parallel_loop3A_224 = arith.constant 16 : i32
      %parallel_loop3A_225 = arith.muli %parallel_loop3A_223, %parallel_loop3A_224 : i32
      %parallel_loop3A_226 = arith.index_cast %parallel_loop3A_225 : i32 to index
      %parallel_loop3A_227 = tpu.vector_load %arg8[%parallel_loop3A_226] {strides = array<i32>} : memref<30000xf32, #tpu.memory_space<vmem>>, vector<16xf32>,
      %parallel_loop3A_228 = arith.constant 10000 : i32
      %parallel_loop3A_229 = arith.addi %parallel_loop3A_228, %parallel_loop3A_225 : i32
      %parallel_loop3A_230 = arith.index_cast %parallel_loop3A_229 : i32 to index
      %parallel_loop3A_231 = tpu.vector_load %arg8[%parallel_loop3A_230] {strides = array<i32>} : memref<30000xf32, #tpu.memory_space<vmem>>, vector<16xf32>,
      %parallel_loop3A_232 = arith.constant 20000 : i32
      %parallel_loop3A_233 = arith.addi %parallel_loop3A_232, %parallel_loop3A_225 : i32
      %parallel_loop3A_234 = arith.index_cast %parallel_loop3A_233 : i32 to index
      %parallel_loop3A_235 = tpu.vector_load %arg8[%parallel_loop3A_234] {strides = array<i32>} : memref<30000xf32, #tpu.memory_space<vmem>>, vector<16xf32>,
      %parallel_loop3A_236 = arith.constant 2.550000e+02 : f32
      %parallel_loop3A_237 = vector.broadcast %parallel_loop3A_236 : f32 to vector<16xf32>
      %parallel_loop3A_238 = arith.mulf %parallel_loop3A_227, %parallel_loop3A_237 : vector<16xf32>
      %parallel_loop3A_239 = arith.constant 2.550000e+02 : f32
      %parallel_loop3A_240 = vector.broadcast %parallel_loop3A_239 : f32 to vector<16xf32>
      %parallel_loop3A_241 = arith.mulf %parallel_loop3A_231, %parallel_loop3A_240 : vector<16xf32>
      %parallel_loop3A_242 = arith.fptosi %parallel_loop3A_238 : vector<16xf32> to vector<16xi32>
      %parallel_loop3A_243 = arith.fptosi %parallel_loop3A_241 : vector<16xf32> to vector<16xi32>
      %parallel_loop3A_244 = arith.sitofp %parallel_loop3A_242 : vector<16xi32> to vector<16xf32>
      %parallel_loop3A_245 = arith.subf %parallel_loop3A_238, %parallel_loop3A_244 : vector<16xf32>
      %parallel_loop3A_246 = arith.sitofp %parallel_loop3A_243 : vector<16xi32> to vector<16xf32>
      %parallel_loop3A_247 = arith.subf %parallel_loop3A_241, %parallel_loop3A_246 : vector<16xf32>
      %parallel_loop3A_248 = arith.constant 1.000000e+00 : f32
      %parallel_loop3A_249 = vector.broadcast %parallel_loop3A_248 : f32 to vector<16xf32>
      %parallel_loop3A_250 = arith.subf %parallel_loop3A_249, %parallel_loop3A_245 : vector<16xf32>
      %parallel_loop3A_251 = arith.constant 1.000000e+00 : f32
      %parallel_loop3A_252 = vector.broadcast %parallel_loop3A_251 : f32 to vector<16xf32>
      %parallel_loop3A_253 = arith.subf %parallel_loop3A_252, %parallel_loop3A_247 : vector<16xf32>
      %parallel_loop3A_254 = arith.constant 8 : i32
      %parallel_loop3A_255 = vector.broadcast %parallel_loop3A_254 : i32 to vector<16xi32>
      %parallel_loop3A_256 = arith.shli %parallel_loop3A_243, %parallel_loop3A_255 : vector<16xi32>
      %parallel_loop3A_257 = arith.addi %parallel_loop3A_256, %parallel_loop3A_242 : vector<16xi32>
      %parallel_loop3A_258 = arith.mulf %parallel_loop3A_235, %parallel_loop3A_253 : vector<16xf32>
      %parallel_loop3A_259 = arith.mulf %parallel_loop3A_235, %parallel_loop3A_247 : vector<16xf32>
      %parallel_loop3A_260 = arith.mulf %parallel_loop3A_258, %parallel_loop3A_250 : vector<16xf32>
      tpu.vector_store_idx %arg6[%parallel_loop3A_257], %parallel_loop3A_260 {add = true} : memref<65536xf32, #tpu.memory_space<vmem>>[vector<16xi32>], vector<16xf32>,
      %parallel_loop3A_261 = arith.constant 1 : i32
      %parallel_loop3A_262 = vector.broadcast %parallel_loop3A_261 : i32 to vector<16xi32>
      %parallel_loop3A_263 = arith.addi %parallel_loop3A_257, %parallel_loop3A_262 : vector<16xi32>
      %parallel_loop3A_264 = arith.mulf %parallel_loop3A_258, %parallel_loop3A_245 : vector<16xf32>
      tpu.vector_store_idx %arg6[%parallel_loop3A_263], %parallel_loop3A_264 {add = true} : memref<65536xf32, #tpu.memory_space<vmem>>[vector<16xi32>], vector<16xf32>,
      %parallel_loop3A_265 = arith.constant 256 : i32
      %parallel_loop3A_266 = vector.broadcast %parallel_loop3A_265 : i32 to vector<16xi32>
      %parallel_loop3A_267 = arith.addi %parallel_loop3A_257, %parallel_loop3A_266 : vector<16xi32>
      %parallel_loop3A_268 = arith.mulf %parallel_loop3A_259, %parallel_loop3A_250 : vector<16xf32>
      tpu.vector_store_idx %arg6[%parallel_loop3A_267], %parallel_loop3A_268 {add = true} : memref<65536xf32, #tpu.memory_space<vmem>>[vector<16xi32>], vector<16xf32>,
      %parallel_loop3A_269 = arith.constant 257 : i32
      %parallel_loop3A_270 = vector.broadcast %parallel_loop3A_269 : i32 to vector<16xi32>
      %parallel_loop3A_271 = arith.addi %parallel_loop3A_257, %parallel_loop3A_270 : vector<16xi32>
      %parallel_loop3A_272 = arith.mulf %parallel_loop3A_259, %parallel_loop3A_245 : vector<16xf32>
      tpu.vector_store_idx %arg6[%parallel_loop3A_271], %parallel_loop3A_272 {add = true} : memref<65536xf32, #tpu.memory_space<vmem>>[vector<16xi32>], vector<16xf32>,
    } {sc.loop_unroll_factor = 5 : i64, sc.parallel_access}
    %add3A_109 = arith.constant 0 : i32
    %add3A_110 = arith.addi %add3A, %add3A_109 : i32
    %dma_wait3A_111 = arith.constant 0 : i32
    %dma_wait3A_112 = tpu.memref_slice %arg7[%dma_wait3A_111] : memref<30000xf32, #tpu.memory_space<vmem>> -> memref<10000xf32, #tpu.memory_space<vmem>>
    %dma_wait3A_113 = tpu.memref_slice %arg2[%add3A_110] : memref<1600000xf32, #tpu.memory_space<hbm>> -> memref<10000xf32, #tpu.memory_space<hbm>>
    %dma_wait3A_114 = arith.constant 0 : i32
    %dma_wait3A_115 = tpu.memref_slice %arg7[%dma_wait3A_114] : memref<30000xf32, #tpu.memory_space<vmem>> -> memref<10000xf32, #tpu.memory_space<vmem>>
    %dma_wait3A_116 = tpu.memref_slice %arg2[%add3A_110] : memref<1600000xf32, #tpu.memory_space<hbm>> -> memref<10000xf32, #tpu.memory_space<hbm>>
    tpu.wait_dma2 semaphore(%arg9 : memref<!tpu.dma_semaphore, #tpu.memory_space<semaphore_mem>>) src(%dma_wait3A_116 : memref<10000xf32, #tpu.memory_space<hbm>>) dst(%dma_wait3A_115 : memref<10000xf32, #tpu.memory_space<vmem>>)
    %dma_wait3A_117 = arith.constant 10000 : i32
    %dma_wait3A_118 = tpu.memref_slice %arg7[%dma_wait3A_117] : memref<30000xf32, #tpu.memory_space<vmem>> -> memref<10000xf32, #tpu.memory_space<vmem>>
    %dma_wait3A_119 = tpu.memref_slice %arg3[%add3A_110] : memref<1600000xf32, #tpu.memory_space<hbm>> -> memref<10000xf32, #tpu.memory_space<hbm>>
    %dma_wait3A_120 = arith.constant 10000 : i32
    %dma_wait3A_121 = tpu.memref_slice %arg7[%dma_wait3A_120] : memref<30000xf32, #tpu.memory_space<vmem>> -> memref<10000xf32, #tpu.memory_space<vmem>>
    %dma_wait3A_122 = tpu.memref_slice %arg3[%add3A_110] : memref<1600000xf32, #tpu.memory_space<hbm>> -> memref<10000xf32, #tpu.memory_space<hbm>>
    tpu.wait_dma2 semaphore(%arg9 : memref<!tpu.dma_semaphore, #tpu.memory_space<semaphore_mem>>) src(%dma_wait3A_122 : memref<10000xf32, #tpu.memory_space<hbm>>) dst(%dma_wait3A_121 : memref<10000xf32, #tpu.memory_space<vmem>>)
    %dma_wait3A_123 = arith.constant 20000 : i32
    %dma_wait3A_124 = tpu.memref_slice %arg7[%dma_wait3A_123] : memref<30000xf32, #tpu.memory_space<vmem>> -> memref<10000xf32, #tpu.memory_space<vmem>>
    %dma_wait3A_125 = tpu.memref_slice %arg4[%add3A_110] : memref<1600000xf32, #tpu.memory_space<hbm>> -> memref<10000xf32, #tpu.memory_space<hbm>>
    %dma_wait3A_126 = arith.constant 20000 : i32
    %dma_wait3A_127 = tpu.memref_slice %arg7[%dma_wait3A_126] : memref<30000xf32, #tpu.memory_space<vmem>> -> memref<10000xf32, #tpu.memory_space<vmem>>
    %dma_wait3A_128 = tpu.memref_slice %arg4[%add3A_110] : memref<1600000xf32, #tpu.memory_space<hbm>> -> memref<10000xf32, #tpu.memory_space<hbm>>
    tpu.wait_dma2 semaphore(%arg9 : memref<!tpu.dma_semaphore, #tpu.memory_space<semaphore_mem>>) src(%dma_wait3A_128 : memref<10000xf32, #tpu.memory_space<hbm>>) dst(%dma_wait3A_127 : memref<10000xf32, #tpu.memory_space<vmem>>)
    %add3A_129 = arith.constant 30000 : i32
    %add3A_130 = arith.addi %add3A, %add3A_129 : i32
    %dma_start3A_131 = arith.constant 0 : i32
    %dma_start3A_132 = tpu.memref_slice %arg8[%dma_start3A_131] : memref<30000xf32, #tpu.memory_space<vmem>> -> memref<10000xf32, #tpu.memory_space<vmem>>
    %dma_start3A_133 = tpu.memref_slice %arg2[%add3A_130] : memref<1600000xf32, #tpu.memory_space<hbm>> -> memref<10000xf32, #tpu.memory_space<hbm>>
    %dma_start3A_134 = arith.constant 0 : i32
    %dma_start3A_135 = tpu.memref_slice %arg8[%dma_start3A_134] : memref<30000xf32, #tpu.memory_space<vmem>> -> memref<10000xf32, #tpu.memory_space<vmem>>
    %dma_start3A_136 = tpu.memref_slice %arg2[%add3A_130] : memref<1600000xf32, #tpu.memory_space<hbm>> -> memref<10000xf32, #tpu.memory_space<hbm>>
    tpu.enqueue_dma source(%dma_start3A_136 : memref<10000xf32, #tpu.memory_space<hbm>>) target(%dma_start3A_135 : memref<10000xf32, #tpu.memory_space<vmem>>) target_semaphore(%arg10 : memref<!tpu.dma_semaphore, #tpu.memory_space<semaphore_mem>>)
    %dma_start3A_137 = arith.constant 10000 : i32
    %dma_start3A_138 = tpu.memref_slice %arg8[%dma_start3A_137] : memref<30000xf32, #tpu.memory_space<vmem>> -> memref<10000xf32, #tpu.memory_space<vmem>>
    %dma_start3A_139 = tpu.memref_slice %arg3[%add3A_130] : memref<1600000xf32, #tpu.memory_space<hbm>> -> memref<10000xf32, #tpu.memory_space<hbm>>
    %dma_start3A_140 = arith.constant 10000 : i32
    %dma_start3A_141 = tpu.memref_slice %arg8[%dma_start3A_140] : memref<30000xf32, #tpu.memory_space<vmem>> -> memref<10000xf32, #tpu.memory_space<vmem>>
    %dma_start3A_142 = tpu.memref_slice %arg3[%add3A_130] : memref<1600000xf32, #tpu.memory_space<hbm>> -> memref<10000xf32, #tpu.memory_space<hbm>>
    tpu.enqueue_dma source(%dma_start3A_142 : memref<10000xf32, #tpu.memory_space<hbm>>) target(%dma_start3A_141 : memref<10000xf32, #tpu.memory_space<vmem>>) target_semaphore(%arg10 : memref<!tpu.dma_semaphore, #tpu.memory_space<semaphore_mem>>)
    %dma_start3A_143 = arith.constant 20000 : i32
    %dma_start3A_144 = tpu.memref_slice %arg8[%dma_start3A_143] : memref<30000xf32, #tpu.memory_space<vmem>> -> memref<10000xf32, #tpu.memory_space<vmem>>
    %dma_start3A_145 = tpu.memref_slice %arg4[%add3A_130] : memref<1600000xf32, #tpu.memory_space<hbm>> -> memref<10000xf32, #tpu.memory_space<hbm>>
    %dma_start3A_146 = arith.constant 20000 : i32
    %dma_start3A_147 = tpu.memref_slice %arg8[%dma_start3A_146] : memref<30000xf32, #tpu.memory_space<vmem>> -> memref<10000xf32, #tpu.memory_space<vmem>>
    %dma_start3A_148 = tpu.memref_slice %arg4[%add3A_130] : memref<1600000xf32, #tpu.memory_space<hbm>> -> memref<10000xf32, #tpu.memory_space<hbm>>
    tpu.enqueue_dma source(%dma_start3A_148 : memref<10000xf32, #tpu.memory_space<hbm>>) target(%dma_start3A_147 : memref<10000xf32, #tpu.memory_space<vmem>>) target_semaphore(%arg10 : memref<!tpu.dma_semaphore, #tpu.memory_space<semaphore_mem>>)
    %parallel_loop3A_149 = arith.constant 0 : i32
    %parallel_loop3A_150 = arith.constant 625 : i32
    %parallel_loop3A_151 = arith.constant 1 : i32
    scf.for %parallel_loop3A_223 = %parallel_loop3A_149 to %parallel_loop3A_150 step %parallel_loop3A_151  : i32 {
      %parallel_loop3A_224 = arith.constant 16 : i32
      %parallel_loop3A_225 = arith.muli %parallel_loop3A_223, %parallel_loop3A_224 : i32
      %parallel_loop3A_226 = arith.index_cast %parallel_loop3A_225 : i32 to index
      %parallel_loop3A_227 = tpu.vector_load %arg7[%parallel_loop3A_226] {strides = array<i32>} : memref<30000xf32, #tpu.memory_space<vmem>>, vector<16xf32>,
      %parallel_loop3A_228 = arith.constant 10000 : i32
      %parallel_loop3A_229 = arith.addi %parallel_loop3A_228, %parallel_loop3A_225 : i32
      %parallel_loop3A_230 = arith.index_cast %parallel_loop3A_229 : i32 to index
      %parallel_loop3A_231 = tpu.vector_load %arg7[%parallel_loop3A_230] {strides = array<i32>} : memref<30000xf32, #tpu.memory_space<vmem>>, vector<16xf32>,
      %parallel_loop3A_232 = arith.constant 20000 : i32
      %parallel_loop3A_233 = arith.addi %parallel_loop3A_232, %parallel_loop3A_225 : i32
      %parallel_loop3A_234 = arith.index_cast %parallel_loop3A_233 : i32 to index
      %parallel_loop3A_235 = tpu.vector_load %arg7[%parallel_loop3A_234] {strides = array<i32>} : memref<30000xf32, #tpu.memory_space<vmem>>, vector<16xf32>,
      %parallel_loop3A_236 = arith.constant 2.550000e+02 : f32
      %parallel_loop3A_237 = vector.broadcast %parallel_loop3A_236 : f32 to vector<16xf32>
      %parallel_loop3A_238 = arith.mulf %parallel_loop3A_227, %parallel_loop3A_237 : vector<16xf32>
      %parallel_loop3A_239 = arith.constant 2.550000e+02 : f32
      %parallel_loop3A_240 = vector.broadcast %parallel_loop3A_239 : f32 to vector<16xf32>
      %parallel_loop3A_241 = arith.mulf %parallel_loop3A_231, %parallel_loop3A_240 : vector<16xf32>
      %parallel_loop3A_242 = arith.fptosi %parallel_loop3A_238 : vector<16xf32> to vector<16xi32>
      %parallel_loop3A_243 = arith.fptosi %parallel_loop3A_241 : vector<16xf32> to vector<16xi32>
      %parallel_loop3A_244 = arith.sitofp %parallel_loop3A_242 : vector<16xi32> to vector<16xf32>
      %parallel_loop3A_245 = arith.subf %parallel_loop3A_238, %parallel_loop3A_244 : vector<16xf32>
      %parallel_loop3A_246 = arith.sitofp %parallel_loop3A_243 : vector<16xi32> to vector<16xf32>
      %parallel_loop3A_247 = arith.subf %parallel_loop3A_241, %parallel_loop3A_246 : vector<16xf32>
      %parallel_loop3A_248 = arith.constant 1.000000e+00 : f32
      %parallel_loop3A_249 = vector.broadcast %parallel_loop3A_248 : f32 to vector<16xf32>
      %parallel_loop3A_250 = arith.subf %parallel_loop3A_249, %parallel_loop3A_245 : vector<16xf32>
      %parallel_loop3A_251 = arith.constant 1.000000e+00 : f32
      %parallel_loop3A_252 = vector.broadcast %parallel_loop3A_251 : f32 to vector<16xf32>
      %parallel_loop3A_253 = arith.subf %parallel_loop3A_252, %parallel_loop3A_247 : vector<16xf32>
      %parallel_loop3A_254 = arith.constant 8 : i32
      %parallel_loop3A_255 = vector.broadcast %parallel_loop3A_254 : i32 to vector<16xi32>
      %parallel_loop3A_256 = arith.shli %parallel_loop3A_243, %parallel_loop3A_255 : vector<16xi32>
      %parallel_loop3A_257 = arith.addi %parallel_loop3A_256, %parallel_loop3A_242 : vector<16xi32>
      %parallel_loop3A_258 = arith.mulf %parallel_loop3A_235, %parallel_loop3A_253 : vector<16xf32>
      %parallel_loop3A_259 = arith.mulf %parallel_loop3A_235, %parallel_loop3A_247 : vector<16xf32>
      %parallel_loop3A_260 = arith.mulf %parallel_loop3A_258, %parallel_loop3A_250 : vector<16xf32>
      tpu.vector_store_idx %arg6[%parallel_loop3A_257], %parallel_loop3A_260 {add = true} : memref<65536xf32, #tpu.memory_space<vmem>>[vector<16xi32>], vector<16xf32>,
      %parallel_loop3A_261 = arith.constant 1 : i32
      %parallel_loop3A_262 = vector.broadcast %parallel_loop3A_261 : i32 to vector<16xi32>
      %parallel_loop3A_263 = arith.addi %parallel_loop3A_257, %parallel_loop3A_262 : vector<16xi32>
      %parallel_loop3A_264 = arith.mulf %parallel_loop3A_258, %parallel_loop3A_245 : vector<16xf32>
      tpu.vector_store_idx %arg6[%parallel_loop3A_263], %parallel_loop3A_264 {add = true} : memref<65536xf32, #tpu.memory_space<vmem>>[vector<16xi32>], vector<16xf32>,
      %parallel_loop3A_265 = arith.constant 256 : i32
      %parallel_loop3A_266 = vector.broadcast %parallel_loop3A_265 : i32 to vector<16xi32>
      %parallel_loop3A_267 = arith.addi %parallel_loop3A_257, %parallel_loop3A_266 : vector<16xi32>
      %parallel_loop3A_268 = arith.mulf %parallel_loop3A_259, %parallel_loop3A_250 : vector<16xf32>
      tpu.vector_store_idx %arg6[%parallel_loop3A_267], %parallel_loop3A_268 {add = true} : memref<65536xf32, #tpu.memory_space<vmem>>[vector<16xi32>], vector<16xf32>,
      %parallel_loop3A_269 = arith.constant 257 : i32
      %parallel_loop3A_270 = vector.broadcast %parallel_loop3A_269 : i32 to vector<16xi32>
      %parallel_loop3A_271 = arith.addi %parallel_loop3A_257, %parallel_loop3A_270 : vector<16xi32>
      %parallel_loop3A_272 = arith.mulf %parallel_loop3A_259, %parallel_loop3A_245 : vector<16xf32>
      tpu.vector_store_idx %arg6[%parallel_loop3A_271], %parallel_loop3A_272 {add = true} : memref<65536xf32, #tpu.memory_space<vmem>>[vector<16xi32>], vector<16xf32>,
    } {sc.loop_unroll_factor = 5 : i64, sc.parallel_access}
    %add3A_152 = arith.constant 0 : i32
    %add3A_153 = arith.addi %add3A, %add3A_152 : i32
    %dma_wait3A_154 = arith.constant 0 : i32
    %dma_wait3A_155 = tpu.memref_slice %arg8[%dma_wait3A_154] : memref<30000xf32, #tpu.memory_space<vmem>> -> memref<10000xf32, #tpu.memory_space<vmem>>
    %dma_wait3A_156 = tpu.memref_slice %arg2[%add3A_153] : memref<1600000xf32, #tpu.memory_space<hbm>> -> memref<10000xf32, #tpu.memory_space<hbm>>
    %dma_wait3A_157 = arith.constant 0 : i32
    %dma_wait3A_158 = tpu.memref_slice %arg8[%dma_wait3A_157] : memref<30000xf32, #tpu.memory_space<vmem>> -> memref<10000xf32, #tpu.memory_space<vmem>>
    %dma_wait3A_159 = tpu.memref_slice %arg2[%add3A_153] : memref<1600000xf32, #tpu.memory_space<hbm>> -> memref<10000xf32, #tpu.memory_space<hbm>>
    tpu.wait_dma2 semaphore(%arg10 : memref<!tpu.dma_semaphore, #tpu.memory_space<semaphore_mem>>) src(%dma_wait3A_159 : memref<10000xf32, #tpu.memory_space<hbm>>) dst(%dma_wait3A_158 : memref<10000xf32, #tpu.memory_space<vmem>>)
    %dma_wait3A_160 = arith.constant 10000 : i32
    %dma_wait3A_161 = tpu.memref_slice %arg8[%dma_wait3A_160] : memref<30000xf32, #tpu.memory_space<vmem>> -> memref<10000xf32, #tpu.memory_space<vmem>>
    %dma_wait3A_162 = tpu.memref_slice %arg3[%add3A_153] : memref<1600000xf32, #tpu.memory_space<hbm>> -> memref<10000xf32, #tpu.memory_space<hbm>>
    %dma_wait3A_163 = arith.constant 10000 : i32
    %dma_wait3A_164 = tpu.memref_slice %arg8[%dma_wait3A_163] : memref<30000xf32, #tpu.memory_space<vmem>> -> memref<10000xf32, #tpu.memory_space<vmem>>
    %dma_wait3A_165 = tpu.memref_slice %arg3[%add3A_153] : memref<1600000xf32, #tpu.memory_space<hbm>> -> memref<10000xf32, #tpu.memory_space<hbm>>
    tpu.wait_dma2 semaphore(%arg10 : memref<!tpu.dma_semaphore, #tpu.memory_space<semaphore_mem>>) src(%dma_wait3A_165 : memref<10000xf32, #tpu.memory_space<hbm>>) dst(%dma_wait3A_164 : memref<10000xf32, #tpu.memory_space<vmem>>)
    %dma_wait3A_166 = arith.constant 20000 : i32
    %dma_wait3A_167 = tpu.memref_slice %arg8[%dma_wait3A_166] : memref<30000xf32, #tpu.memory_space<vmem>> -> memref<10000xf32, #tpu.memory_space<vmem>>
    %dma_wait3A_168 = tpu.memref_slice %arg4[%add3A_153] : memref<1600000xf32, #tpu.memory_space<hbm>> -> memref<10000xf32, #tpu.memory_space<hbm>>
    %dma_wait3A_169 = arith.constant 20000 : i32
    %dma_wait3A_170 = tpu.memref_slice %arg8[%dma_wait3A_169] : memref<30000xf32, #tpu.memory_space<vmem>> -> memref<10000xf32, #tpu.memory_space<vmem>>
    %dma_wait3A_171 = tpu.memref_slice %arg4[%add3A_153] : memref<1600000xf32, #tpu.memory_space<hbm>> -> memref<10000xf32, #tpu.memory_space<hbm>>
    tpu.wait_dma2 semaphore(%arg10 : memref<!tpu.dma_semaphore, #tpu.memory_space<semaphore_mem>>) src(%dma_wait3A_171 : memref<10000xf32, #tpu.memory_space<hbm>>) dst(%dma_wait3A_170 : memref<10000xf32, #tpu.memory_space<vmem>>)
    %add3A_172 = arith.constant 40000 : i32
    %add3A_173 = arith.addi %add3A, %add3A_172 : i32
    %dma_start3A_174 = arith.constant 0 : i32
    %dma_start3A_175 = tpu.memref_slice %arg7[%dma_start3A_174] : memref<30000xf32, #tpu.memory_space<vmem>> -> memref<10000xf32, #tpu.memory_space<vmem>>
    %dma_start3A_176 = tpu.memref_slice %arg2[%add3A_173] : memref<1600000xf32, #tpu.memory_space<hbm>> -> memref<10000xf32, #tpu.memory_space<hbm>>
    %dma_start3A_177 = arith.constant 0 : i32
    %dma_start3A_178 = tpu.memref_slice %arg7[%dma_start3A_177] : memref<30000xf32, #tpu.memory_space<vmem>> -> memref<10000xf32, #tpu.memory_space<vmem>>
    %dma_start3A_179 = tpu.memref_slice %arg2[%add3A_173] : memref<1600000xf32, #tpu.memory_space<hbm>> -> memref<10000xf32, #tpu.memory_space<hbm>>
    tpu.enqueue_dma source(%dma_start3A_179 : memref<10000xf32, #tpu.memory_space<hbm>>) target(%dma_start3A_178 : memref<10000xf32, #tpu.memory_space<vmem>>) target_semaphore(%arg9 : memref<!tpu.dma_semaphore, #tpu.memory_space<semaphore_mem>>)
    %dma_start3A_180 = arith.constant 10000 : i32
    %dma_start3A_181 = tpu.memref_slice %arg7[%dma_start3A_180] : memref<30000xf32, #tpu.memory_space<vmem>> -> memref<10000xf32, #tpu.memory_space<vmem>>
    %dma_start3A_182 = tpu.memref_slice %arg3[%add3A_173] : memref<1600000xf32, #tpu.memory_space<hbm>> -> memref<10000xf32, #tpu.memory_space<hbm>>
    %dma_start3A_183 = arith.constant 10000 : i32
    %dma_start3A_184 = tpu.memref_slice %arg7[%dma_start3A_183] : memref<30000xf32, #tpu.memory_space<vmem>> -> memref<10000xf32, #tpu.memory_space<vmem>>
    %dma_start3A_185 = tpu.memref_slice %arg3[%add3A_173] : memref<1600000xf32, #tpu.memory_space<hbm>> -> memref<10000xf32, #tpu.memory_space<hbm>>
    tpu.enqueue_dma source(%dma_start3A_185 : memref<10000xf32, #tpu.memory_space<hbm>>) target(%dma_start3A_184 : memref<10000xf32, #tpu.memory_space<vmem>>) target_semaphore(%arg9 : memref<!tpu.dma_semaphore, #tpu.memory_space<semaphore_mem>>)
    %dma_start3A_186 = arith.constant 20000 : i32
    %dma_start3A_187 = tpu.memref_slice %arg7[%dma_start3A_186] : memref<30000xf32, #tpu.memory_space<vmem>> -> memref<10000xf32, #tpu.memory_space<vmem>>
    %dma_start3A_188 = tpu.memref_slice %arg4[%add3A_173] : memref<1600000xf32, #tpu.memory_space<hbm>> -> memref<10000xf32, #tpu.memory_space<hbm>>
    %dma_start3A_189 = arith.constant 20000 : i32
    %dma_start3A_190 = tpu.memref_slice %arg7[%dma_start3A_189] : memref<30000xf32, #tpu.memory_space<vmem>> -> memref<10000xf32, #tpu.memory_space<vmem>>
    %dma_start3A_191 = tpu.memref_slice %arg4[%add3A_173] : memref<1600000xf32, #tpu.memory_space<hbm>> -> memref<10000xf32, #tpu.memory_space<hbm>>
    tpu.enqueue_dma source(%dma_start3A_191 : memref<10000xf32, #tpu.memory_space<hbm>>) target(%dma_start3A_190 : memref<10000xf32, #tpu.memory_space<vmem>>) target_semaphore(%arg9 : memref<!tpu.dma_semaphore, #tpu.memory_space<semaphore_mem>>)
    %parallel_loop3A_192 = arith.constant 0 : i32
    %parallel_loop3A_193 = arith.constant 625 : i32
    %parallel_loop3A_194 = arith.constant 1 : i32
    scf.for %parallel_loop3A_223 = %parallel_loop3A_192 to %parallel_loop3A_193 step %parallel_loop3A_194  : i32 {
      %parallel_loop3A_224 = arith.constant 16 : i32
      %parallel_loop3A_225 = arith.muli %parallel_loop3A_223, %parallel_loop3A_224 : i32
      %parallel_loop3A_226 = arith.index_cast %parallel_loop3A_225 : i32 to index
      %parallel_loop3A_227 = tpu.vector_load %arg8[%parallel_loop3A_226] {strides = array<i32>} : memref<30000xf32, #tpu.memory_space<vmem>>, vector<16xf32>,
      %parallel_loop3A_228 = arith.constant 10000 : i32
      %parallel_loop3A_229 = arith.addi %parallel_loop3A_228, %parallel_loop3A_225 : i32
      %parallel_loop3A_230 = arith.index_cast %parallel_loop3A_229 : i32 to index
      %parallel_loop3A_231 = tpu.vector_load %arg8[%parallel_loop3A_230] {strides = array<i32>} : memref<30000xf32, #tpu.memory_space<vmem>>, vector<16xf32>,
      %parallel_loop3A_232 = arith.constant 20000 : i32
      %parallel_loop3A_233 = arith.addi %parallel_loop3A_232, %parallel_loop3A_225 : i32
      %parallel_loop3A_234 = arith.index_cast %parallel_loop3A_233 : i32 to index
      %parallel_loop3A_235 = tpu.vector_load %arg8[%parallel_loop3A_234] {strides = array<i32>} : memref<30000xf32, #tpu.memory_space<vmem>>, vector<16xf32>,
      %parallel_loop3A_236 = arith.constant 2.550000e+02 : f32
      %parallel_loop3A_237 = vector.broadcast %parallel_loop3A_236 : f32 to vector<16xf32>
      %parallel_loop3A_238 = arith.mulf %parallel_loop3A_227, %parallel_loop3A_237 : vector<16xf32>
      %parallel_loop3A_239 = arith.constant 2.550000e+02 : f32
      %parallel_loop3A_240 = vector.broadcast %parallel_loop3A_239 : f32 to vector<16xf32>
      %parallel_loop3A_241 = arith.mulf %parallel_loop3A_231, %parallel_loop3A_240 : vector<16xf32>
      %parallel_loop3A_242 = arith.fptosi %parallel_loop3A_238 : vector<16xf32> to vector<16xi32>
      %parallel_loop3A_243 = arith.fptosi %parallel_loop3A_241 : vector<16xf32> to vector<16xi32>
      %parallel_loop3A_244 = arith.sitofp %parallel_loop3A_242 : vector<16xi32> to vector<16xf32>
      %parallel_loop3A_245 = arith.subf %parallel_loop3A_238, %parallel_loop3A_244 : vector<16xf32>
      %parallel_loop3A_246 = arith.sitofp %parallel_loop3A_243 : vector<16xi32> to vector<16xf32>
      %parallel_loop3A_247 = arith.subf %parallel_loop3A_241, %parallel_loop3A_246 : vector<16xf32>
      %parallel_loop3A_248 = arith.constant 1.000000e+00 : f32
      %parallel_loop3A_249 = vector.broadcast %parallel_loop3A_248 : f32 to vector<16xf32>
      %parallel_loop3A_250 = arith.subf %parallel_loop3A_249, %parallel_loop3A_245 : vector<16xf32>
      %parallel_loop3A_251 = arith.constant 1.000000e+00 : f32
      %parallel_loop3A_252 = vector.broadcast %parallel_loop3A_251 : f32 to vector<16xf32>
      %parallel_loop3A_253 = arith.subf %parallel_loop3A_252, %parallel_loop3A_247 : vector<16xf32>
      %parallel_loop3A_254 = arith.constant 8 : i32
      %parallel_loop3A_255 = vector.broadcast %parallel_loop3A_254 : i32 to vector<16xi32>
      %parallel_loop3A_256 = arith.shli %parallel_loop3A_243, %parallel_loop3A_255 : vector<16xi32>
      %parallel_loop3A_257 = arith.addi %parallel_loop3A_256, %parallel_loop3A_242 : vector<16xi32>
      %parallel_loop3A_258 = arith.mulf %parallel_loop3A_235, %parallel_loop3A_253 : vector<16xf32>
      %parallel_loop3A_259 = arith.mulf %parallel_loop3A_235, %parallel_loop3A_247 : vector<16xf32>
      %parallel_loop3A_260 = arith.mulf %parallel_loop3A_258, %parallel_loop3A_250 : vector<16xf32>
      tpu.vector_store_idx %arg6[%parallel_loop3A_257], %parallel_loop3A_260 {add = true} : memref<65536xf32, #tpu.memory_space<vmem>>[vector<16xi32>], vector<16xf32>,
      %parallel_loop3A_261 = arith.constant 1 : i32
      %parallel_loop3A_262 = vector.broadcast %parallel_loop3A_261 : i32 to vector<16xi32>
      %parallel_loop3A_263 = arith.addi %parallel_loop3A_257, %parallel_loop3A_262 : vector<16xi32>
      %parallel_loop3A_264 = arith.mulf %parallel_loop3A_258, %parallel_loop3A_245 : vector<16xf32>
      tpu.vector_store_idx %arg6[%parallel_loop3A_263], %parallel_loop3A_264 {add = true} : memref<65536xf32, #tpu.memory_space<vmem>>[vector<16xi32>], vector<16xf32>,
      %parallel_loop3A_265 = arith.constant 256 : i32
      %parallel_loop3A_266 = vector.broadcast %parallel_loop3A_265 : i32 to vector<16xi32>
      %parallel_loop3A_267 = arith.addi %parallel_loop3A_257, %parallel_loop3A_266 : vector<16xi32>
      %parallel_loop3A_268 = arith.mulf %parallel_loop3A_259, %parallel_loop3A_250 : vector<16xf32>
      tpu.vector_store_idx %arg6[%parallel_loop3A_267], %parallel_loop3A_268 {add = true} : memref<65536xf32, #tpu.memory_space<vmem>>[vector<16xi32>], vector<16xf32>,
      %parallel_loop3A_269 = arith.constant 257 : i32
      %parallel_loop3A_270 = vector.broadcast %parallel_loop3A_269 : i32 to vector<16xi32>
      %parallel_loop3A_271 = arith.addi %parallel_loop3A_257, %parallel_loop3A_270 : vector<16xi32>
      %parallel_loop3A_272 = arith.mulf %parallel_loop3A_259, %parallel_loop3A_245 : vector<16xf32>
      tpu.vector_store_idx %arg6[%parallel_loop3A_271], %parallel_loop3A_272 {add = true} : memref<65536xf32, #tpu.memory_space<vmem>>[vector<16xi32>], vector<16xf32>,
    } {sc.loop_unroll_factor = 5 : i64, sc.parallel_access}
    %add3A_195 = arith.constant 0 : i32
    %add3A_196 = arith.addi %add3A, %add3A_195 : i32
    %dma_wait3A_197 = arith.constant 0 : i32
    %dma_wait3A_198 = tpu.memref_slice %arg7[%dma_wait3A_197] : memref<30000xf32, #tpu.memory_space<vmem>> -> memref<10000xf32, #tpu.memory_space<vmem>>
    %dma_wait3A_199 = tpu.memref_slice %arg2[%add3A_196] : memref<1600000xf32, #tpu.memory_space<hbm>> -> memref<10000xf32, #tpu.memory_space<hbm>>
    %dma_wait3A_200 = arith.constant 0 : i32
    %dma_wait3A_201 = tpu.memref_slice %arg7[%dma_wait3A_200] : memref<30000xf32, #tpu.memory_space<vmem>> -> memref<10000xf32, #tpu.memory_space<vmem>>
    %dma_wait3A_202 = tpu.memref_slice %arg2[%add3A_196] : memref<1600000xf32, #tpu.memory_space<hbm>> -> memref<10000xf32, #tpu.memory_space<hbm>>
    tpu.wait_dma2 semaphore(%arg9 : memref<!tpu.dma_semaphore, #tpu.memory_space<semaphore_mem>>) src(%dma_wait3A_202 : memref<10000xf32, #tpu.memory_space<hbm>>) dst(%dma_wait3A_201 : memref<10000xf32, #tpu.memory_space<vmem>>)
    %dma_wait3A_203 = arith.constant 10000 : i32
    %dma_wait3A_204 = tpu.memref_slice %arg7[%dma_wait3A_203] : memref<30000xf32, #tpu.memory_space<vmem>> -> memref<10000xf32, #tpu.memory_space<vmem>>
    %dma_wait3A_205 = tpu.memref_slice %arg3[%add3A_196] : memref<1600000xf32, #tpu.memory_space<hbm>> -> memref<10000xf32, #tpu.memory_space<hbm>>
    %dma_wait3A_206 = arith.constant 10000 : i32
    %dma_wait3A_207 = tpu.memref_slice %arg7[%dma_wait3A_206] : memref<30000xf32, #tpu.memory_space<vmem>> -> memref<10000xf32, #tpu.memory_space<vmem>>
    %dma_wait3A_208 = tpu.memref_slice %arg3[%add3A_196] : memref<1600000xf32, #tpu.memory_space<hbm>> -> memref<10000xf32, #tpu.memory_space<hbm>>
    tpu.wait_dma2 semaphore(%arg9 : memref<!tpu.dma_semaphore, #tpu.memory_space<semaphore_mem>>) src(%dma_wait3A_208 : memref<10000xf32, #tpu.memory_space<hbm>>) dst(%dma_wait3A_207 : memref<10000xf32, #tpu.memory_space<vmem>>)
    %dma_wait3A_209 = arith.constant 20000 : i32
    %dma_wait3A_210 = tpu.memref_slice %arg7[%dma_wait3A_209] : memref<30000xf32, #tpu.memory_space<vmem>> -> memref<10000xf32, #tpu.memory_space<vmem>>
    %dma_wait3A_211 = tpu.memref_slice %arg4[%add3A_196] : memref<1600000xf32, #tpu.memory_space<hbm>> -> memref<10000xf32, #tpu.memory_space<hbm>>
    %dma_wait3A_212 = arith.constant 20000 : i32
    %dma_wait3A_213 = tpu.memref_slice %arg7[%dma_wait3A_212] : memref<30000xf32, #tpu.memory_space<vmem>> -> memref<10000xf32, #tpu.memory_space<vmem>>
    %dma_wait3A_214 = tpu.memref_slice %arg4[%add3A_196] : memref<1600000xf32, #tpu.memory_space<hbm>> -> memref<10000xf32, #tpu.memory_space<hbm>>
    tpu.wait_dma2 semaphore(%arg9 : memref<!tpu.dma_semaphore, #tpu.memory_space<semaphore_mem>>) src(%dma_wait3A_214 : memref<10000xf32, #tpu.memory_space<hbm>>) dst(%dma_wait3A_213 : memref<10000xf32, #tpu.memory_space<vmem>>)
    %parallel_loop3A_215 = arith.constant 0 : i32
    %parallel_loop3A_216 = arith.constant 625 : i32
    %parallel_loop3A_217 = arith.constant 1 : i32
    scf.for %parallel_loop3A_223 = %parallel_loop3A_215 to %parallel_loop3A_216 step %parallel_loop3A_217  : i32 {
      %parallel_loop3A_224 = arith.constant 16 : i32
      %parallel_loop3A_225 = arith.muli %parallel_loop3A_223, %parallel_loop3A_224 : i32
      %parallel_loop3A_226 = arith.index_cast %parallel_loop3A_225 : i32 to index
      %parallel_loop3A_227 = tpu.vector_load %arg7[%parallel_loop3A_226] {strides = array<i32>} : memref<30000xf32, #tpu.memory_space<vmem>>, vector<16xf32>,
      %parallel_loop3A_228 = arith.constant 10000 : i32
      %parallel_loop3A_229 = arith.addi %parallel_loop3A_228, %parallel_loop3A_225 : i32
      %parallel_loop3A_230 = arith.index_cast %parallel_loop3A_229 : i32 to index
      %parallel_loop3A_231 = tpu.vector_load %arg7[%parallel_loop3A_230] {strides = array<i32>} : memref<30000xf32, #tpu.memory_space<vmem>>, vector<16xf32>,
      %parallel_loop3A_232 = arith.constant 20000 : i32
      %parallel_loop3A_233 = arith.addi %parallel_loop3A_232, %parallel_loop3A_225 : i32
      %parallel_loop3A_234 = arith.index_cast %parallel_loop3A_233 : i32 to index
      %parallel_loop3A_235 = tpu.vector_load %arg7[%parallel_loop3A_234] {strides = array<i32>} : memref<30000xf32, #tpu.memory_space<vmem>>, vector<16xf32>,
      %parallel_loop3A_236 = arith.constant 2.550000e+02 : f32
      %parallel_loop3A_237 = vector.broadcast %parallel_loop3A_236 : f32 to vector<16xf32>
      %parallel_loop3A_238 = arith.mulf %parallel_loop3A_227, %parallel_loop3A_237 : vector<16xf32>
      %parallel_loop3A_239 = arith.constant 2.550000e+02 : f32
      %parallel_loop3A_240 = vector.broadcast %parallel_loop3A_239 : f32 to vector<16xf32>
      %parallel_loop3A_241 = arith.mulf %parallel_loop3A_231, %parallel_loop3A_240 : vector<16xf32>
      %parallel_loop3A_242 = arith.fptosi %parallel_loop3A_238 : vector<16xf32> to vector<16xi32>
      %parallel_loop3A_243 = arith.fptosi %parallel_loop3A_241 : vector<16xf32> to vector<16xi32>
      %parallel_loop3A_244 = arith.sitofp %parallel_loop3A_242 : vector<16xi32> to vector<16xf32>
      %parallel_loop3A_245 = arith.subf %parallel_loop3A_238, %parallel_loop3A_244 : vector<16xf32>
      %parallel_loop3A_246 = arith.sitofp %parallel_loop3A_243 : vector<16xi32> to vector<16xf32>
      %parallel_loop3A_247 = arith.subf %parallel_loop3A_241, %parallel_loop3A_246 : vector<16xf32>
      %parallel_loop3A_248 = arith.constant 1.000000e+00 : f32
      %parallel_loop3A_249 = vector.broadcast %parallel_loop3A_248 : f32 to vector<16xf32>
      %parallel_loop3A_250 = arith.subf %parallel_loop3A_249, %parallel_loop3A_245 : vector<16xf32>
      %parallel_loop3A_251 = arith.constant 1.000000e+00 : f32
      %parallel_loop3A_252 = vector.broadcast %parallel_loop3A_251 : f32 to vector<16xf32>
      %parallel_loop3A_253 = arith.subf %parallel_loop3A_252, %parallel_loop3A_247 : vector<16xf32>
      %parallel_loop3A_254 = arith.constant 8 : i32
      %parallel_loop3A_255 = vector.broadcast %parallel_loop3A_254 : i32 to vector<16xi32>
      %parallel_loop3A_256 = arith.shli %parallel_loop3A_243, %parallel_loop3A_255 : vector<16xi32>
      %parallel_loop3A_257 = arith.addi %parallel_loop3A_256, %parallel_loop3A_242 : vector<16xi32>
      %parallel_loop3A_258 = arith.mulf %parallel_loop3A_235, %parallel_loop3A_253 : vector<16xf32>
      %parallel_loop3A_259 = arith.mulf %parallel_loop3A_235, %parallel_loop3A_247 : vector<16xf32>
      %parallel_loop3A_260 = arith.mulf %parallel_loop3A_258, %parallel_loop3A_250 : vector<16xf32>
      tpu.vector_store_idx %arg6[%parallel_loop3A_257], %parallel_loop3A_260 {add = true} : memref<65536xf32, #tpu.memory_space<vmem>>[vector<16xi32>], vector<16xf32>,
      %parallel_loop3A_261 = arith.constant 1 : i32
      %parallel_loop3A_262 = vector.broadcast %parallel_loop3A_261 : i32 to vector<16xi32>
      %parallel_loop3A_263 = arith.addi %parallel_loop3A_257, %parallel_loop3A_262 : vector<16xi32>
      %parallel_loop3A_264 = arith.mulf %parallel_loop3A_258, %parallel_loop3A_245 : vector<16xf32>
      tpu.vector_store_idx %arg6[%parallel_loop3A_263], %parallel_loop3A_264 {add = true} : memref<65536xf32, #tpu.memory_space<vmem>>[vector<16xi32>], vector<16xf32>,
      %parallel_loop3A_265 = arith.constant 256 : i32
      %parallel_loop3A_266 = vector.broadcast %parallel_loop3A_265 : i32 to vector<16xi32>
      %parallel_loop3A_267 = arith.addi %parallel_loop3A_257, %parallel_loop3A_266 : vector<16xi32>
      %parallel_loop3A_268 = arith.mulf %parallel_loop3A_259, %parallel_loop3A_250 : vector<16xf32>
      tpu.vector_store_idx %arg6[%parallel_loop3A_267], %parallel_loop3A_268 {add = true} : memref<65536xf32, #tpu.memory_space<vmem>>[vector<16xi32>], vector<16xf32>,
      %parallel_loop3A_269 = arith.constant 257 : i32
      %parallel_loop3A_270 = vector.broadcast %parallel_loop3A_269 : i32 to vector<16xi32>
      %parallel_loop3A_271 = arith.addi %parallel_loop3A_257, %parallel_loop3A_270 : vector<16xi32>
      %parallel_loop3A_272 = arith.mulf %parallel_loop3A_259, %parallel_loop3A_245 : vector<16xf32>
      tpu.vector_store_idx %arg6[%parallel_loop3A_271], %parallel_loop3A_272 {add = true} : memref<65536xf32, #tpu.memory_space<vmem>>[vector<16xi32>], vector<16xf32>,
    } {sc.loop_unroll_factor = 5 : i64, sc.parallel_access}
    %mul3A_218 = arith.constant 16 : i32
    %mul3A_219 = arith.muli %arg0, %mul3A_218 : i32
    %add3A_220 = arith.addi %mul3A_219, %arg1 : i32
    %mul3A_221 = arith.constant 65536 : i32
    %mul3A_222 = arith.muli %add3A_220, %mul3A_221 : i32
    "tpu.region"() ({
      %run_scoped3A = tpu.sem_alloc : memref<!tpu.dma_semaphore, #tpu.memory_space<semaphore_mem>>
      %dma_start3A_223 = tpu.memref_slice %arg5[%mul3A_222] : memref<2097152xf32, #tpu.memory_space<hbm>> -> memref<65536xf32, #tpu.memory_space<hbm>>
      %dma_start3A_224 = tpu.memref_slice %arg5[%mul3A_222] : memref<2097152xf32, #tpu.memory_space<hbm>> -> memref<65536xf32, #tpu.memory_space<hbm>>
      tpu.enqueue_dma source(%arg6 : memref<65536xf32, #tpu.memory_space<vmem>>) target(%dma_start3A_224 : memref<65536xf32, #tpu.memory_space<hbm>>) target_semaphore(%run_scoped3A : memref<!tpu.dma_semaphore, #tpu.memory_space<semaphore_mem>>)
      %dma_wait3A_225 = tpu.memref_slice %arg5[%mul3A_222] : memref<2097152xf32, #tpu.memory_space<hbm>> -> memref<65536xf32, #tpu.memory_space<hbm>>
      %dma_wait3A_226 = tpu.memref_slice %arg5[%mul3A_222] : memref<2097152xf32, #tpu.memory_space<hbm>> -> memref<65536xf32, #tpu.memory_space<hbm>>
      tpu.wait_dma2 semaphore(%run_scoped3A : memref<!tpu.dma_semaphore, #tpu.memory_space<semaphore_mem>>) src(%arg6 : memref<65536xf32, #tpu.memory_space<vmem>>) dst(%dma_wait3A_226 : memref<65536xf32, #tpu.memory_space<hbm>>)
      tpu.yield
    }) : () -> ()
    return
  }
}

module attributes {stable_mosaic.version = 14 : i64} {
  func.func @_ctf_body(%arg0: i32, %arg1: memref<1x256x256xf32, #tpu.memory_space<vmem>>, %arg2: memref<1x256x256xf32, #tpu.memory_space<vmem>>, %arg3: memref<256x256xf32, #tpu.memory_space<vmem>>, %arg4: memref<256x256xf32, #tpu.memory_space<vmem>>, %arg5: memref<256x256xf32, #tpu.memory_space<vmem>>, %arg6: memref<256x256xf32, #tpu.memory_space<vmem>>, %arg7: memref<256x128xf32, #tpu.memory_space<vmem>>, %arg8: memref<256x128xf32, #tpu.memory_space<vmem>>, %arg9: memref<128x256xf32, #tpu.memory_space<vmem>>, %arg10: memref<128x256xf32, #tpu.memory_space<vmem>>, %arg11: memref<1x256x129xf32, #tpu.memory_space<vmem>>, %arg12: memref<1x256x256xf32, #tpu.memory_space<vmem>>, %arg13: memref<1x256x256xf32, #tpu.memory_space<vmem>>) attributes {dimension_semantics = [#tpu.dimension_semantics<arbitrary>], iteration_bounds = array<i64: 16>, scalar_prefetch = 0 : i64, scratch_operands = 0 : i64, tpu.core_type = #tpu.core_type<tc>, window_params = [{transform_indices = @transform_0, window_bounds = array<i64: 1, 256, 256>}, {transform_indices = @transform_1, window_bounds = array<i64: 1, 256, 256>}, {pipeline_mode = #tpu.pipeline_mode<synchronous>, transform_indices = @transform_2, window_bounds = array<i64: 256, 256>}, {pipeline_mode = #tpu.pipeline_mode<synchronous>, transform_indices = @transform_3, window_bounds = array<i64: 256, 256>}, {pipeline_mode = #tpu.pipeline_mode<synchronous>, transform_indices = @transform_4, window_bounds = array<i64: 256, 256>}, {pipeline_mode = #tpu.pipeline_mode<synchronous>, transform_indices = @transform_5, window_bounds = array<i64: 256, 256>}, {pipeline_mode = #tpu.pipeline_mode<synchronous>, transform_indices = @transform_6, window_bounds = array<i64: 256, 128>}, {pipeline_mode = #tpu.pipeline_mode<synchronous>, transform_indices = @transform_7, window_bounds = array<i64: 256, 128>}, {pipeline_mode = #tpu.pipeline_mode<synchronous>, transform_indices = @transform_8, window_bounds = array<i64: 128, 256>}, {pipeline_mode = #tpu.pipeline_mode<synchronous>, transform_indices = @transform_9, window_bounds = array<i64: 128, 256>}, {transform_indices = @transform_10, window_bounds = array<i64: 1, 256, 129>}, {transform_indices = @transform_11, window_bounds = array<i64: 1, 256, 256>}, {transform_indices = @transform_12, window_bounds = array<i64: 1, 256, 256>}]} {
    %get3A = arith.constant 0 : index
    %get3A_0 = arith.constant 0 : index
    %get3A_1 = arith.constant 0 : index
    %get3A_2 = vector.load %arg1[%get3A, %get3A_0, %get3A_1] : memref<1x256x256xf32, #tpu.memory_space<vmem>>, vector<1x256x256xf32>
    %get3A_3 = vector.shape_cast %get3A_2 : vector<1x256x256xf32> to vector<256x256xf32>
    %get3A_4 = arith.constant 0 : index
    %get3A_5 = arith.constant 0 : index
    %get3A_6 = arith.constant 0 : index
    %get3A_7 = vector.load %arg2[%get3A_4, %get3A_5, %get3A_6] : memref<1x256x256xf32, #tpu.memory_space<vmem>>, vector<1x256x256xf32>
    %get3A_8 = vector.shape_cast %get3A_7 : vector<1x256x256xf32> to vector<256x256xf32>
    %add3A = arith.addf %get3A_3, %get3A_8 : vector<256x256xf32>
    %swap3A = arith.constant 0 : index
    %swap3A_9 = arith.constant 0 : index
    %swap3A_10 = arith.constant 0 : index
    %swap3A_11 = vector.load %arg12[%swap3A, %swap3A_9, %swap3A_10] : memref<1x256x256xf32, #tpu.memory_space<vmem>>, vector<1x256x256xf32>
    %swap3A_12 = vector.shape_cast %swap3A_11 : vector<1x256x256xf32> to vector<256x256xf32>
    %swap3A_13 = vector.shape_cast %add3A : vector<256x256xf32> to vector<1x256x256xf32>
    tpu.vector_store %arg12[%swap3A, %swap3A_9, %swap3A_10], %swap3A_13 {strides = array<i32>} : memref<1x256x256xf32, #tpu.memory_space<vmem>>, vector<1x256x256xf32>,
    %get3A_14 = arith.constant 0 : index
    %get3A_15 = arith.constant 0 : index
    %get3A_16 = vector.load %arg3[%get3A_14, %get3A_15] : memref<256x256xf32, #tpu.memory_space<vmem>>, vector<256x256xf32>
    %get3A_17 = arith.constant 0 : index
    %get3A_18 = arith.constant 0 : index
    %get3A_19 = vector.load %arg4[%get3A_17, %get3A_18] : memref<256x256xf32, #tpu.memory_space<vmem>>, vector<256x256xf32>
    %get3A_20 = arith.constant 0 : index
    %get3A_21 = arith.constant 0 : index
    %get3A_22 = vector.load %arg7[%get3A_20, %get3A_21] : memref<256x128xf32, #tpu.memory_space<vmem>>, vector<256x128xf32>
    %dot_general3A = arith.constant dense<0.000000e+00> : vector<256x128xf32>
    %dot_general3A_23 = tpu.matmul %add3A, %get3A_22, %dot_general3A {dimension_numbers = #tpu.dot_dimension_numbers<[1], [0], [0], [1], [0, 0, 1, 1], [], []>, transpose_lhs_hint = false} : vector<256x256xf32>, vector<256x128xf32>, vector<256x128xf32> -> vector<256x128xf32>
    %get3A_24 = arith.constant 0 : index
    %get3A_25 = arith.constant 0 : index
    %get3A_26 = vector.load %arg8[%get3A_24, %get3A_25] : memref<256x128xf32, #tpu.memory_space<vmem>>, vector<256x128xf32>
    %dot_general3A_27 = arith.constant dense<0.000000e+00> : vector<256x128xf32>
    %dot_general3A_28 = tpu.matmul %add3A, %get3A_26, %dot_general3A_27 {dimension_numbers = #tpu.dot_dimension_numbers<[1], [0], [0], [1], [0, 0, 1, 1], [], []>, transpose_lhs_hint = false} : vector<256x256xf32>, vector<256x128xf32>, vector<256x128xf32> -> vector<256x128xf32>
    %neg3A = arith.constant 0.000000e+00 : f32
    %neg3A_29 = vector.broadcast %neg3A : f32 to vector<256x128xf32>
    %neg3A_30 = arith.subf %neg3A_29, %dot_general3A_28 : vector<256x128xf32>
    %dot_general3A_31 = arith.constant dense<0.000000e+00> : vector<256x128xf32>
    %dot_general3A_32 = tpu.matmul %get3A_16, %dot_general3A_23, %dot_general3A_31 {dimension_numbers = #tpu.dot_dimension_numbers<[1], [0], [0], [1], [0, 0, 1, 1], [], []>, transpose_lhs_hint = false} : vector<256x256xf32>, vector<256x128xf32>, vector<256x128xf32> -> vector<256x128xf32>
    %dot_general3A_33 = arith.constant dense<0.000000e+00> : vector<256x128xf32>
    %dot_general3A_34 = tpu.matmul %get3A_19, %neg3A_30, %dot_general3A_33 {dimension_numbers = #tpu.dot_dimension_numbers<[1], [0], [0], [1], [0, 0, 1, 1], [], []>, transpose_lhs_hint = false} : vector<256x256xf32>, vector<256x128xf32>, vector<256x128xf32> -> vector<256x128xf32>
    %get3A_35 = arith.constant 0 : index
    %get3A_36 = arith.constant 0 : index
    %get3A_37 = vector.load %arg5[%get3A_35, %get3A_36] : memref<256x256xf32, #tpu.memory_space<vmem>>, vector<256x256xf32>
    %add3A_38 = arith.addf %dot_general3A_23, %neg3A_30 : vector<256x128xf32>
    %dot_general3A_39 = arith.constant dense<0.000000e+00> : vector<256x128xf32>
    %dot_general3A_40 = tpu.matmul %get3A_37, %add3A_38, %dot_general3A_39 {dimension_numbers = #tpu.dot_dimension_numbers<[1], [0], [0], [1], [0, 0, 1, 1], [], []>, transpose_lhs_hint = false} : vector<256x256xf32>, vector<256x128xf32>, vector<256x128xf32> -> vector<256x128xf32>
    %add3A_41 = arith.addf %dot_general3A_32, %dot_general3A_34 : vector<256x128xf32>
    %sub3A = arith.subf %dot_general3A_40, %dot_general3A_32 : vector<256x128xf32>
    %add3A_42 = arith.addf %sub3A, %dot_general3A_34 : vector<256x128xf32>
    %get3A_43 = arith.constant 0 : index
    %get3A_44 = arith.constant 0 : index
    %get3A_45 = arith.constant 0 : index
    %get3A_46 = vector.load %arg11[%get3A_43, %get3A_44, %get3A_45] : memref<1x256x129xf32, #tpu.memory_space<vmem>>, vector<1x256x129xf32>
    %get3A_47 = vector.shape_cast %get3A_46 : vector<1x256x129xf32> to vector<256x129xf32>
    %slice3A = vector.extract_strided_slice %get3A_47 {offsets = [0, 0], sizes = [256, 128], strides = [1, 1]} : vector<256x129xf32> to vector<256x128xf32>
    %mul3A = arith.mulf %add3A_41, %slice3A : vector<256x128xf32>
    %mul3A_48 = arith.mulf %add3A_42, %slice3A : vector<256x128xf32>
    %dot_general3A_49 = arith.constant dense<0.000000e+00> : vector<256x128xf32>
    %dot_general3A_50 = tpu.matmul %get3A_16, %mul3A, %dot_general3A_49 {dimension_numbers = #tpu.dot_dimension_numbers<[1], [0], [0], [1], [0, 0, 1, 1], [], []>, transpose_lhs_hint = false} : vector<256x256xf32>, vector<256x128xf32>, vector<256x128xf32> -> vector<256x128xf32>
    %dot_general3A_51 = arith.constant dense<0.000000e+00> : vector<256x128xf32>
    %dot_general3A_52 = tpu.matmul %get3A_19, %mul3A_48, %dot_general3A_51 {dimension_numbers = #tpu.dot_dimension_numbers<[1], [0], [0], [1], [0, 0, 1, 1], [], []>, transpose_lhs_hint = false} : vector<256x256xf32>, vector<256x128xf32>, vector<256x128xf32> -> vector<256x128xf32>
    %get3A_53 = arith.constant 0 : index
    %get3A_54 = arith.constant 0 : index
    %get3A_55 = vector.load %arg6[%get3A_53, %get3A_54] : memref<256x256xf32, #tpu.memory_space<vmem>>, vector<256x256xf32>
    %add3A_56 = arith.addf %mul3A, %mul3A_48 : vector<256x128xf32>
    %dot_general3A_57 = arith.constant dense<0.000000e+00> : vector<256x128xf32>
    %dot_general3A_58 = tpu.matmul %get3A_55, %add3A_56, %dot_general3A_57 {dimension_numbers = #tpu.dot_dimension_numbers<[1], [0], [0], [1], [0, 0, 1, 1], [], []>, transpose_lhs_hint = false} : vector<256x256xf32>, vector<256x128xf32>, vector<256x128xf32> -> vector<256x128xf32>
    %sub3A_59 = arith.subf %dot_general3A_50, %dot_general3A_52 : vector<256x128xf32>
    %sub3A_60 = arith.subf %dot_general3A_58, %dot_general3A_50 : vector<256x128xf32>
    %sub3A_61 = arith.subf %sub3A_60, %dot_general3A_52 : vector<256x128xf32>
    %get3A_62 = arith.constant 0 : index
    %get3A_63 = arith.constant 0 : index
    %get3A_64 = vector.load %arg9[%get3A_62, %get3A_63] : memref<128x256xf32, #tpu.memory_space<vmem>>, vector<128x256xf32>
    %dot_general3A_65 = arith.constant dense<0.000000e+00> : vector<256x256xf32>
    %dot_general3A_66 = tpu.matmul %sub3A_59, %get3A_64, %dot_general3A_65 {dimension_numbers = #tpu.dot_dimension_numbers<[1], [0], [0], [1], [0, 0, 1, 1], [], []>, transpose_lhs_hint = false} : vector<256x128xf32>, vector<128x256xf32>, vector<256x256xf32> -> vector<256x256xf32>
    %get3A_67 = arith.constant 0 : index
    %get3A_68 = arith.constant 0 : index
    %get3A_69 = vector.load %arg10[%get3A_67, %get3A_68] : memref<128x256xf32, #tpu.memory_space<vmem>>, vector<128x256xf32>
    %dot_general3A_70 = arith.constant dense<0.000000e+00> : vector<256x256xf32>
    %dot_general3A_71 = tpu.matmul %sub3A_61, %get3A_69, %dot_general3A_70 {dimension_numbers = #tpu.dot_dimension_numbers<[1], [0], [0], [1], [0, 0, 1, 1], [], []>, transpose_lhs_hint = false} : vector<256x128xf32>, vector<128x256xf32>, vector<256x256xf32> -> vector<256x256xf32>
    %sub3A_72 = arith.subf %dot_general3A_66, %dot_general3A_71 : vector<256x256xf32>
    %iota3A = tpu.iota {dimensions = array<i32: 1>} : vector<256x256xi32>
    %and3A = arith.constant 1 : i32
    %and3A_73 = vector.broadcast %and3A : i32 to vector<256x256xi32>
    %and3A_74 = arith.andi %iota3A, %and3A_73 : vector<256x256xi32>
    %eq3A = arith.constant 0 : i32
    %eq3A_75 = vector.broadcast %eq3A : i32 to vector<256x256xi32>
    %eq3A_76 = arith.cmpi eq, %and3A_74, %eq3A_75 : vector<256x256xi32>
    %jit3A = arith.constant 1.000000e+00 : f32
    %jit3A_77 = arith.constant -1.000000e+00 : f32
    %broadcast_in_dim3A = vector.broadcast %jit3A : f32 to vector<256x256xf32>
    %broadcast_in_dim3A_78 = vector.broadcast %jit3A_77 : f32 to vector<256x256xf32>
    %select_n3A = arith.select %eq3A_76, %broadcast_in_dim3A, %broadcast_in_dim3A_78 : vector<256x256xi1>, vector<256x256xf32>
    %mul3A_79 = arith.mulf %add3A, %select_n3A : vector<256x256xf32>
    %reduce_sum3A = arith.constant dense<0.000000e+00> : vector<256xf32>
    %reduce_sum3A_80 = vector.multi_reduction <add>, %mul3A_79, %reduce_sum3A [1] : vector<256x256xf32> to vector<256xf32>
    %broadcast_in_dim3A_81 = vector.shape_cast %reduce_sum3A_80 : vector<256xf32> to vector<256x1xf32>
    %mul3A_82 = vector.broadcast %broadcast_in_dim3A_81 : vector<256x1xf32> to vector<256x256xf32>
    %mul3A_83 = arith.mulf %get3A_16, %mul3A_82 : vector<256x256xf32>
    %reduce_sum3A_84 = arith.constant dense<0.000000e+00> : vector<256xf32>
    %reduce_sum3A_85 = vector.multi_reduction <add>, %mul3A_83, %reduce_sum3A_84 [0] : vector<256x256xf32> to vector<256xf32>
    %broadcast_in_dim3A_86 = vector.shape_cast %reduce_sum3A_80 : vector<256xf32> to vector<256x1xf32>
    %mul3A_87 = vector.broadcast %broadcast_in_dim3A_86 : vector<256x1xf32> to vector<256x256xf32>
    %mul3A_88 = arith.mulf %get3A_19, %mul3A_87 : vector<256x256xf32>
    %reduce_sum3A_89 = arith.constant dense<0.000000e+00> : vector<256xf32>
    %reduce_sum3A_90 = vector.multi_reduction <add>, %mul3A_88, %reduce_sum3A_89 [0] : vector<256x256xf32> to vector<256xf32>
    %neg3A_91 = arith.constant 0.000000e+00 : f32
    %neg3A_92 = vector.broadcast %neg3A_91 : f32 to vector<256xf32>
    %neg3A_93 = arith.subf %neg3A_92, %reduce_sum3A_90 : vector<256xf32>
    %slice3A_94 = vector.extract_strided_slice %get3A_47 {offsets = [0, 128], sizes = [256, 1], strides = [1, 1]} : vector<256x129xf32> to vector<256x1xf32>
    %squeeze3A = vector.shape_cast %slice3A_94 : vector<256x1xf32> to vector<256xf32>
    %mul3A_95 = arith.mulf %reduce_sum3A_85, %squeeze3A : vector<256xf32>
    %mul3A_96 = arith.mulf %neg3A_93, %squeeze3A : vector<256xf32>
    %broadcast_in_dim3A_97 = vector.shape_cast %mul3A_95 : vector<256xf32> to vector<256x1xf32>
    %mul3A_98 = vector.broadcast %broadcast_in_dim3A_97 : vector<256x1xf32> to vector<256x256xf32>
    %mul3A_99 = arith.mulf %get3A_16, %mul3A_98 : vector<256x256xf32>
    %reduce_sum3A_100 = arith.constant dense<0.000000e+00> : vector<256xf32>
    %reduce_sum3A_101 = vector.multi_reduction <add>, %mul3A_99, %reduce_sum3A_100 [0] : vector<256x256xf32> to vector<256xf32>
    %broadcast_in_dim3A_102 = vector.shape_cast %mul3A_96 : vector<256xf32> to vector<256x1xf32>
    %mul3A_103 = vector.broadcast %broadcast_in_dim3A_102 : vector<256x1xf32> to vector<256x256xf32>
    %mul3A_104 = arith.mulf %get3A_19, %mul3A_103 : vector<256x256xf32>
    %reduce_sum3A_105 = arith.constant dense<0.000000e+00> : vector<256xf32>
    %reduce_sum3A_106 = vector.multi_reduction <add>, %mul3A_104, %reduce_sum3A_105 [0] : vector<256x256xf32> to vector<256xf32>
    %sub3A_107 = arith.subf %reduce_sum3A_101, %reduce_sum3A_106 : vector<256xf32>
    %mul3A_108 = arith.constant 1.52587891E-5 : f32
    %mul3A_109 = vector.broadcast %mul3A_108 : f32 to vector<256xf32>
    %mul3A_110 = arith.mulf %sub3A_107, %mul3A_109 : vector<256xf32>
    %broadcast_in_dim3A_111 = vector.shape_cast %mul3A_110 : vector<256xf32> to vector<256x1xf32>
    %mul3A_112 = vector.broadcast %broadcast_in_dim3A_111 : vector<256x1xf32> to vector<256x256xf32>
    %mul3A_113 = arith.mulf %mul3A_112, %select_n3A : vector<256x256xf32>
    %add3A_114 = arith.addf %sub3A_72, %mul3A_113 : vector<256x256xf32>
    %swap3A_115 = arith.constant 0 : index
    %swap3A_116 = arith.constant 0 : index
    %swap3A_117 = arith.constant 0 : index
    %swap3A_118 = vector.load %arg13[%swap3A_115, %swap3A_116, %swap3A_117] : memref<1x256x256xf32, #tpu.memory_space<vmem>>, vector<1x256x256xf32>
    %swap3A_119 = vector.shape_cast %swap3A_118 : vector<1x256x256xf32> to vector<256x256xf32>
    %swap3A_120 = vector.shape_cast %add3A_114 : vector<256x256xf32> to vector<1x256x256xf32>
    tpu.vector_store %arg13[%swap3A_115, %swap3A_116, %swap3A_117], %swap3A_120 {strides = array<i32>} : memref<1x256x256xf32, #tpu.memory_space<vmem>>, vector<1x256x256xf32>,
    return
  }
  func.func @transform_0(%arg0: i32) -> (i32, i32, i32) {
    %c0_i32 = arith.constant 0 : i32
    %c0_i32_0 = arith.constant 0 : i32
    %c0_i32_1 = arith.constant 0 : i32
    return %arg0, %c0_i32, %c0_i32_0 : i32, i32, i32
  }
  func.func @transform_1(%arg0: i32) -> (i32, i32, i32) {
    %c0_i32 = arith.constant 0 : i32
    %c0_i32_0 = arith.constant 0 : i32
    %c0_i32_1 = arith.constant 0 : i32
    return %arg0, %c0_i32, %c0_i32_0 : i32, i32, i32
  }
  func.func @transform_2(%arg0: i32) -> (i32, i32) {
    %c0_i32 = arith.constant 0 : i32
    %c0_i32_0 = arith.constant 0 : i32
    %c0_i32_1 = arith.constant 0 : i32
    return %c0_i32, %c0_i32_0 : i32, i32
  }
  func.func @transform_3(%arg0: i32) -> (i32, i32) {
    %c0_i32 = arith.constant 0 : i32
    %c0_i32_0 = arith.constant 0 : i32
    %c0_i32_1 = arith.constant 0 : i32
    return %c0_i32, %c0_i32_0 : i32, i32
  }
  func.func @transform_4(%arg0: i32) -> (i32, i32) {
    %c0_i32 = arith.constant 0 : i32
    %c0_i32_0 = arith.constant 0 : i32
    %c0_i32_1 = arith.constant 0 : i32
    return %c0_i32, %c0_i32_0 : i32, i32
  }
  func.func @transform_5(%arg0: i32) -> (i32, i32) {
    %c0_i32 = arith.constant 0 : i32
    %c0_i32_0 = arith.constant 0 : i32
    %c0_i32_1 = arith.constant 0 : i32
    return %c0_i32, %c0_i32_0 : i32, i32
  }
  func.func @transform_6(%arg0: i32) -> (i32, i32) {
    %c0_i32 = arith.constant 0 : i32
    %c0_i32_0 = arith.constant 0 : i32
    %c0_i32_1 = arith.constant 0 : i32
    return %c0_i32, %c0_i32_0 : i32, i32
  }
  func.func @transform_7(%arg0: i32) -> (i32, i32) {
    %c0_i32 = arith.constant 0 : i32
    %c0_i32_0 = arith.constant 0 : i32
    %c0_i32_1 = arith.constant 0 : i32
    return %c0_i32, %c0_i32_0 : i32, i32
  }
  func.func @transform_8(%arg0: i32) -> (i32, i32) {
    %c0_i32 = arith.constant 0 : i32
    %c0_i32_0 = arith.constant 0 : i32
    %c0_i32_1 = arith.constant 0 : i32
    return %c0_i32, %c0_i32_0 : i32, i32
  }
  func.func @transform_9(%arg0: i32) -> (i32, i32) {
    %c0_i32 = arith.constant 0 : i32
    %c0_i32_0 = arith.constant 0 : i32
    %c0_i32_1 = arith.constant 0 : i32
    return %c0_i32, %c0_i32_0 : i32, i32
  }
  func.func @transform_10(%arg0: i32) -> (i32, i32, i32) {
    %c0_i32 = arith.constant 0 : i32
    %c0_i32_0 = arith.constant 0 : i32
    %c0_i32_1 = arith.constant 0 : i32
    return %arg0, %c0_i32, %c0_i32_0 : i32, i32, i32
  }
  func.func @transform_11(%arg0: i32) -> (i32, i32, i32) {
    %c0_i32 = arith.constant 0 : i32
    %c0_i32_0 = arith.constant 0 : i32
    %c0_i32_1 = arith.constant 0 : i32
    return %arg0, %c0_i32, %c0_i32_0 : i32, i32, i32
  }
  func.func @transform_12(%arg0: i32) -> (i32, i32, i32) {
    %c0_i32 = arith.constant 0 : i32
    %c0_i32_0 = arith.constant 0 : i32
    %c0_i32_1 = arith.constant 0 : i32
    return %arg0, %c0_i32, %c0_i32_0 : i32, i32, i32
  }
}

</mosaic_0001>

<sc_bundles>
// kernel: kernel.4.cloned.1.call-start
scs
__scs_entry_jumppad:
0x0: {  	(pc) =	sbr.rel $0x88, $3  }
0x1: {  	(tag) =	ssettag $0x0;
	lr =	simm.s32 $0x1  }
0x2: {  	[smem:$0x3F9D] =	sst lr;
	_ =	strace $0xD0000000  }
0x3: {  	_ = 	snop  }
0x4: {  	_ = 	snop  }
0x5: {  	_ = 	snop  }
0x6: {  	_ = 	snop  }
0x7: {  	_ = 	snop  }
__scs_overlays_trampoline_lowered:
0x8: {  	[smem:$0x3FAC] =	sst s0  }
0x9: {  	[smem:$0x3FAD] =	sst s1  }
0xa: {  	[smem:$0x3FAE] =	sst s2  }
0xb: {  	[smem:$0x3FAF] =	sst s3  }
0xc: {  	[smem:$0x3FB0] =	sst s4  }
0xd: {  	[smem:$0x3FB1] =	sst s5  }
0xe: {  	[smem:$0x3FB2] =	sst s6  }
0xf: {  	[smem:$0x3FB3] =	sst s7  }
0x10: {  	[smem:$0x3FB4] =	sst s8  }
0x11: {  	[smem:$0x3FB5] =	sst s9;
	s0 =	simm.s32 @!p0 $0x0  }
0x12: {  	s1 =	sld [smem:$0x3F9B];
	s0 =	simm.s32 @p0 $0x1  }
0x13: {  	[smem:$0x3FB6] =	sst s0;
	s0 =	simm.s32 @!p1 $0x0  }
0x14: {  	s2 =	sld [smem:$0x3F9A];
	s0 =	simm.s32 @p1 $0x1  }
0x15: {  	[smem:$0x3FB7] =	sst s0;
	s0 =	simm.s32 @!p2 $0x0  }
0x16: {  	s3 =	sld [smem:$0x3FDB];
	s0 =	simm.s32 @p2 $0x1  }
0x17: {  	s4 =	simm.s32 $0x1BF5;
	[smem:$0x3FB9] =	sst s0  }
0x18: {  	s0 =	sld [smem:$0x3F9C];
	_ =	swait.ge [sflag:s4], $0x0  }
0x19: {  	s7 =	sld [smem:$0x3F9D]  }
0x1a: {  	s8 =	sadd.s32 $0xFFFFE003, lr  }
0x1b: {  	s9 =	sadd.s32 $0xFFFFFEF7, lr;
	s5 =	simm.s32 $0xFFFFFFFF;
	p2 =	slt.u32 s8, $0xFFFFF086  }
0x1c: {  	p1 =	slt.u32 s9, $0xF7A;
	s5 =	simm.s32 @!p2 $0x0  }
0x1d: {  	s5 =	simm.s32 @p1 $0x1;
	p0 =	seq.s32 s7, s2  }
0x1e: {  	s7 =	smul.u32 @!p0 $0xF7A, s2;
	p2 =	seq.s32 @!p0 s5, $0x0  }
0x1f: {  	s9 =	smul.u32 $0xF7A, s1;
	s8 =	simm.s32 @!p0 $0x1BF5;
	p2 =	por !p2, p0  }
0x20: {  	[sflag:s8] =	ssyncset.s32 @!p0 $0xFFFFF086;
	s6 =	sadd.s32 @!p0 s3, s7;
	s7 =	simm.s32 @!p0 $0x108  }
0x21: {  	s3 =	sadd.s32 s3, s9;
	s6 =	sadd.s32 @!p0 $0x88, s6;
	s7 =	simm.s32 @p2 $0x1082  }
0x22: {  	[simem:s7], [sflag:s8] =	dma.local @!p0 [hbm:s6], $0xF7A  }
0x23: {  	s9 =	sor.u32 $0xD0000000, s2;
	s6 =	simm.s32 $0x108;
	_ =	swait.ge @!p0 [sflag:s8], $0x0  }
0x24: {  	s3 =	sadd.s32 $0x88, s3;
	s6 =	simm.s32 @!p1 $0x1082;
	[sflag:s4] =	ssyncset.s32 $0xFFFFF086  }
0x25: {  	[simem:s6], [sflag:s4] =	dma.local [hbm:s3], $0xF7A  }
0x26: {  	[smem:$0x3F9D] =	sst s1;
	(tag) =	ssettag s2;
	_ =	strace s9  }
0x27: {  	s1 =	sld [smem:$0x3FAD]  }
0x28: {  	s2 =	sld [smem:$0x3FAE]  }
0x29: {  	s4 =	sld [smem:$0x3FB0]  }
0x2a: {  	p0 =	seq.s32 s5, $0x0;
	s5 =	sld [smem:$0x3FB1]  }
0x2b: {  	s6 =	sld [smem:$0x3FB2]  }
0x2c: {  	s7 =	sld [smem:$0x3FB3]  }
0x2d: {  	s3 =	simm.s32 $0x108;
	s8 =	sld [smem:$0x3FB4]  }
0x2e: {  	s3 =	simm.s32 @!p0 $0x1082;
	s9 =	sld [smem:$0x3FB5]  }
0x2f: {  	lr =	sadd.s32 s0, s3;
	s0 =	sld [smem:$0x3FAC]  }
0x30: {  	s3 =	sld [smem:$0x3FAF]  }
0x31: {  	[smem:$0x3FB8] =	sst s10  }
0x32: {  	s10 =	sld [smem:$0x3FB6];
	_ =	sdelay $0x3  }
0x33: {  	p0 =	seq.s32 s10, $0x1;
	s10 =	sld [smem:$0x3FB8];
	_ =	sdelay $0x3  }
0x34: {  	[smem:$0x3FB8] =	sst s10  }
0x35: {  	s10 =	sld [smem:$0x3FB7];
	_ =	sdelay $0x3  }
0x36: {  	p1 =	seq.s32 s10, $0x1;
	s10 =	sld [smem:$0x3FB8];
	_ =	sdelay $0x3  }
0x37: {  	[smem:$0x3FB8] =	sst s10  }
0x38: {  	s10 =	sld [smem:$0x3FB9]  }
0x39: {  	_ = 	snop;
	(pc) =	sbr.ind lr, $3  }
0x3a: {  	_ = 	snop  }
0x3b: {  	_ = 	snop  }
0x3c: {  	p2 =	seq.s32 s10, $0x1;
	s10 =	sld [smem:$0x3FB8]  }
0x3d: {  	_ =	shalt  }
0x3e: {  	_ =	shalt  }
0x3f: {  	_ =	shalt  }
0x40: {  	_ =	shalt  }
0x41: {  	_ =	shalt  }
0x42: {  	_ =	shalt  }
0x43: {  	_ =	shalt  }
0x44: {  	_ =	shalt  }
0x45: {  	_ =	shalt  }
0x46: {  	_ =	shalt  }
0x47: {  	_ =	shalt  }
0x48: {  	_ =	shalt  }
0x49: {  	_ =	shalt  }
0x4a: {  	_ =	shalt  }
0x4b: {  	_ =	shalt  }
0x4c: {  	_ =	shalt  }
0x4d: {  	_ =	shalt  }
0x4e: {  	_ =	shalt  }
0x4f: {  	_ =	shalt  }
0x50: {  	_ =	shalt  }
0x51: {  	_ =	shalt  }
0x52: {  	_ =	shalt  }
0x53: {  	_ =	shalt  }
0x54: {  	_ =	shalt  }
0x55: {  	_ =	shalt  }
0x56: {  	_ =	shalt  }
0x57: {  	_ =	shalt  }
0x58: {  	_ =	shalt  }
0x59: {  	_ =	shalt  }
0x5a: {  	_ =	shalt  }
0x5b: {  	_ =	shalt  }
0x5c: {  	_ =	shalt  }
0x5d: {  	_ =	shalt  }
0x5e: {  	_ =	shalt  }
0x5f: {  	_ =	shalt  }
0x60: {  	_ =	shalt  }
0x61: {  	_ =	shalt  }
0x62: {  	_ =	shalt  }
0x63: {  	_ =	shalt  }
0x64: {  	_ =	shalt  }
0x65: {  	_ =	shalt  }
0x66: {  	_ =	shalt  }
0x67: {  	_ =	shalt  }
0x68: {  	_ =	shalt  }
0x69: {  	_ =	shalt  }
0x6a: {  	_ =	shalt  }
0x6b: {  	_ =	shalt  }
0x6c: {  	_ =	shalt  }
0x6d: {  	_ =	shalt  }
0x6e: {  	_ =	shalt  }
0x6f: {  	_ =	shalt  }
0x70: {  	_ =	shalt  }
0x71: {  	_ =	shalt  }
0x72: {  	_ =	shalt  }
0x73: {  	_ =	shalt  }
0x74: {  	_ =	shalt  }
0x75: {  	_ =	shalt  }
0x76: {  	_ =	shalt  }
0x77: {  	_ =	shalt  }
0x78: {  	_ =	shalt  }
0x79: {  	_ =	shalt  }
0x7a: {  	_ =	shalt  }
0x7b: {  	_ =	shalt  }
0x7c: {  	_ =	shalt  }
0x7d: {  	_ =	shalt  }
0x7e: {  	_ =	shalt  }
0x7f: {  	_ =	shalt  }
0x80: {  	_ =	shalt  }
0x81: {  	_ =	shalt  }
0x82: {  	_ =	shalt  }
0x83: {  	_ =	shalt  }
0x84: {  	_ =	shalt  }
0x85: {  	_ =	shalt  }
0x86: {  	_ =	shalt  }
0x87: {  	_ =	shalt  }
.Lfunc_end0:
.L_simem_size_0:
called_computation_lowered:
.L_overlay_start_0:
0x88: {  	s2 =	sld [smem:$0x3FD9]  }
0x89: {  	s3 =	sld [smem:$0x3FFE];
	_ =	sdelay $0x1  }
0x8a: {  	s1 =	srdreg.scid  }
0x8b: {  	s0 =	sand.u32 $0x1, s1  }
0x8c: {  	s16 =	sshll.u32 s0, $0xA;
	s2 =	sadd.s32 s3, s2  }
0x8d: {  	s2 =	sadd.s32 s2, s16  }
0x8e: {  	[smem:$0x3FC4] =	sst s2  }
0x8f: {  	_ = 	snop  }
0x90: {  	(tm) =	ssettm $0x1  }
0x91: {  	s17 =	sld [smem:$0x3FFB];
	_ =	sdelay $0x3  }
0x92: {  	_ =	strace s17  }
0x93: {  	s2 =	sld [smem:$0x3FFC];
	_ =	sdelay $0x3  }
0x94: {  	_ =	strace s2  }
0x95: {  	s2 =	sld [smem:$0x3FFD];
	_ =	sdelay $0x3  }
0x96: {  	_ =	strace s2  }
0x97: {  	_ =	strace $0x8FFFFFFF  }
0x98: {  	s18 =	sld [smem:$0x3FDB];
	_ =	sdelay $0x1  }
0x99: {  	s19 =	simm.s32 $_scs_section_size  }
0x9a: {  	s4 =	simm.s32 $_size__tile_overlayer_lowered;
	s5 =	simm.s32 $_tile_overlayer_lowered  }
0x9b: {  	s22 =	simm.s32 $0x1BFF;
	s21 =	sshll.u32 s5, $0x1;
	s2 =	sadd.s32 s19, s18  }
0x9c: {  	s6 =	simm.s32 $0x0;
	s20 =	sshll.u32 s4, $0x1;
	s4 =	sadd.s32 s21, s2  }
0x9d: {  	[timem:s6], [sflag:s22] =	dma.local [hbm:s4], s20  }
0x9e: {  	_ =	swait.ge [sflag:s22], s20  }
0x9f: {  	s3 =	ssub.s32 $0x0, s20;
	[sflag:s22] =	ssyncset.done $0x0  }
0xa0: {  	[sflag:s22] =	ssyncadd.s32 s3;
	_ =	sdelay $0x1  }
0xa1: {  	s23 =	simm.s32 $0x1B8B  }
0xa2: {  	_ =	swait.ge [sflag:s23], $0x1  }
0xa3: {  	[sflag:s23] =	ssyncset.done $0x0  }
0xa4: {  	s25 =	simm.s32 $0x1B8E;
	s24 =	sld [smem:$0x3FFE];
	[sflag:s23] =	ssyncadd.s32 $0xFFFFFFFF  }
0xa5: {  	s26 =	simm.s32 $execute0_lowered;
	[smem:$0x3FD2] =	sst s25  }
0xa6: {  	s4 =	sshll.u32 s26, $0x1;
	_ =	strace $0x80000046;
	[dreg:$0x1] =	wrdreg $0xFFFFFFFF  }
0xa7: {  	s28 =	simm.s32 $_size_execute0_lowered;
	s2 =	sadd.s32 s2, s4;
	[dreg:$0x0] =	wrdreg $0x0  }
0xa8: {  	s4 =	sshll.u32 s28, $0x1;
	[dreg:$0x2] =	wrdreg s2  }
0xa9: {  	[dreg:$0x3] =	wrdreg s4  }
0xaa: {  	[dreg:$0x4] =	wrdreg $0xC0  }
0xab: {  	_ =	task [dreg:s6], $0x5FFFF  }
0xac: {  	[dreg:$0x1] =	wrdreg $0xFFFFFFFF  }
0xad: {  	[dreg:$0x0] =	wrdreg $0x60  }
0xae: {  	[dreg:$0x2] =	wrdreg s24  }
0xaf: {  	[dreg:$0x3] =	wrdreg $0x9  }
0xb0: {  	_ =	task.clear_ibuf [dreg:s6], $0x4FFFF;
	_ =	strace $0x90000046  }
0xb1: {  	s29 =	simm.s32 $0x9;
	_ =	strace $0x80000048  }
0xb2: {  	_ =	swait.ge [sflag:s29], $0x1  }
0xb3: {  	[sflag:s29] =	ssyncadd.s32 $0xFFFFFFFF  }
0xb4: {  	_ =	strace $0x90000048  }
0xb5: {  	_ =	sfence  }
0xb6: {  	s30 =	sld [smem:$0x0];
	_ =	sdelay $0x2  }
0xb7: {  	s31 =	sshll.u32 s1, $0xD;
	s1 =	sshrl.u32 s1, $0x2  }
0xb8: {  	s3 =	sand.u32 $0x4000, s31;
	s1 =	sadd.s32 s1, s30  }
0xb9: {  	s0 =	sor.u32 s3, s0;
	s1 =	sshll.u32 s1, $0x11  }
0xba: {  	s0 =	sor.u32 s1, s0  }
0xbb: {  	s0 =	sadd.s32 $0x8F2B, s0  }
0xbc: {  	[sflag:s0] =	ssyncadd.remote.s32 $0x1  }
0xbd: {  	_ =	sfence.sel $0xFFFF  }
0xbe: {  	[dreg:$0x0] =	wrdreg $0xFFFFFFFF;
	(pc) =	sbr.abs _section_cstart, $3  }
0xbf: {  	[dreg:$0x1] =	wrdreg $0xFFFFFFFF  }
0xc0: {  	_ =	task.clear_ibuf [dreg:s6], $0x2FFFF;
	_ =	strace $0x9FFFFFFF  }
0xc1: {  	(tm) =	ssettm $0x7FFFFFFF  }
tec
execute0_lowered:
.L_overlay_start_1:
0x0: {  	(tag) =	ssettag $0x1  }
0x1: {  	s0 =	rddreg [dreg:$0x0]  }
0x2: {  	s2 =	simm.s32 $0x0;
	s1 =	stileid.u32;
	s3 =	srdreg.scid  }
0x3: {  	s22 =	simm.s32 $0x1;
	s23 =	simm.s32 $0x17580;
	s24 =	simm.s32 $0x19C90  }
0x4: {  	s25 =	simm.s32 $0x1C3A0;
	s28 =	simm.s32 $0x10000;
	s29 =	simm.s32 $0x3  }
0x5: {  	s30 =	simm.s32 $0x0;
	[smem:$0x7FF] =	sst s2;
	s16 =	sand.u32 $0x1, s3  }
0x6: {  	s26 =	smul.u32 $0x186A0, s1;
	s15 =	sadd.s32 $0x2400, s0;
	s17 =	sadd.s32 $0x33200, s0  }
0x7: {  	s18 =	sadd.s32 $0x64000, s0;
	s6 =	sshll.u32 s1, $0xD;
	s4 =	smul.u32 $0xC350, s16  }
0x8: {  	_ =	strace $0x80000047;
	s5 =	ssub.s32 $0x2, s16;
	s0 =	sadd.s32 s6, s0  }
0x9: {  	s31 =	sshll.u32 s16, $0x11;
	s7 =	sshrl.u32 s5, $0x1;
	s3 =	sadd.s32 s4, s26  }
0xa: {  	s0 =	sadd.s32 s31, s0;
	s19 =	ssub.s32 s5, s7;
	s14 =	sshrl.u32 s3, $0x3  }
0xb: {  	s26 =	simm.s32 $0x2;
	s19 =	smax.u32 s19, $0x1;
	s3 =	sadd.s32 s15, s14  }
0xc: {  	s4 =	sadd.s32 s17, s14;
	s8 =	sadd.s32 $0x4E2, s14;
	s5 =	sadd.s32 s18, s14  }
0xd: {  	s11 =	sadd.s32 $0x9C4, s14;
	s20 =	sadd.s32 $0xEA6, s14;
	s21 =	sadd.s32 $0x1388, s14  }
0xe: {  	s6 =	sadd.s32 s15, s8;
	s7 =	sadd.s32 s17, s8;
	s8 =	sadd.s32 s18, s8  }
0xf: {  	s9 =	sadd.s32 s15, s11;
	s10 =	sadd.s32 s17, s11;
	s11 =	sadd.s32 s18, s11  }
0x10: {  	s12 =	sadd.s32 s15, s20;
	s13 =	sadd.s32 s17, s20;
	s14 =	sadd.s32 s18, s20  }
0x11: {  	s15 =	sadd.s32 s15, s21;
	s16 =	sadd.s32 s17, s21;
	s17 =	sadd.s32 s18, s21  }
0x12: {  	v0 =	vimm.f32 $0.0e+00;
	s18 =	sadd.s32 $0x94E00, s0;
	s20 =	simm.s32 $0x12710;
	s21 =	simm.s32 $0x14E20  }
.LBB2_1:
0x13: {  	s0 =	simm.s32 $0x20  }
0x14: {  	[tilespmem:s0+$0xFFFFFFE0] =	vst v0  }
0x15: {  	[tilespmem:s0+$0x10] =	vst v0  }
0x16: {  	s31 =	simm.s32 $0x0;
	[tilespmem:s0+$0x0] =	vst v0  }
.LBB2_2:
0x17: {  	s31 =	sadd.s32 $0x4, s31  }
0x18: {  	[tilespmem:s0+$0xFFFFFFF0] =	vst v0;
	s0 =	sadd.s32 $0x40, s0;
	p0 =	slt.u32 s31, $0xFFC  }
.Ltmp0:
0x19: {  	[tilespmem:s0+$0xFFFFFFE0] =	vst v0;
	(pc) =	sbr.rel @p0 .LBB2_2-.Ltmp0, $3  }
0x1a: {  	_ =	sdelay $0x1  }
0x1b: {  	[tilespmem:s0+$0x10] =	vst v0  }
0x1c: {  	[tilespmem:s0+$0x0] =	vst v0  }
0x1d: {  	[tilespmem:s0+$0xFFFFFFF0] =	vst v0;
	s0 =	simm.s32 $0x10000  }
0x1e: {  	[tilespmem:s0], [sflag:$0x1] =	stream.linear.gather [hbm4b:s3+s2], $0x2710, $0x38;
	[tilespmem:$0x1EB00] =	vst v63  }
0x1f: {  	_ = 	snop  }
0x20: {  	[tilespmem:s20], [sflag:$0x1] =	stream.linear.gather [hbm4b:s4+s2], $0x2710, $0x38;
	[tilespmem:$0x1EB00] =	vst v63  }
0x21: {  	_ = 	snop  }
0x22: {  	[tilespmem:s21], [sflag:$0x1] =	stream.linear.gather [hbm4b:s5+s2], $0x2710, $0x38;
	[tilespmem:$0x1EB00] =	vst v63  }
0x23: {  	_ =	swait.ge [sflag:s22], $0x2710  }
0x24: {  	[sflag:s22] =	ssyncset.done $0x0  }
0x25: {  	[sflag:s22] =	ssyncadd.s32 $0xFFFFD8F0  }
0x26: {  	_ =	swait.ge [sflag:s22], $0x2710  }
0x27: {  	[sflag:s22] =	ssyncset.done $0x0  }
0x28: {  	[sflag:s22] =	ssyncadd.s32 $0xFFFFD8F0  }
0x29: {  	_ =	swait.ge [sflag:s22], $0x2710  }
0x2a: {  	[sflag:s22] =	ssyncset.done $0x0  }
0x2b: {  	[sflag:s22] =	ssyncadd.s32 $0xFFFFD8F0  }
0x2c: {  	[tilespmem:s23], [sflag:$0x2] =	stream.linear.gather [hbm4b:s6+s2], $0x2710, $0x38;
	[tilespmem:$0x1EB00] =	vst v63  }
0x2d: {  	_ = 	snop  }
0x2e: {  	[tilespmem:s24], [sflag:$0x2] =	stream.linear.gather [hbm4b:s7+s2], $0x2710, $0x38;
	[tilespmem:$0x1EB00] =	vst v63  }
0x2f: {  	_ = 	snop  }
0x30: {  	[tilespmem:s25], [sflag:$0x2] =	stream.linear.gather [hbm4b:s8+s2], $0x2710, $0x38;
	[tilespmem:$0x1EB00] =	vst v63  }
0x31: {  	v1 =	vld [tilespmem:s0+$0x2750]  }
0x32: {  	v2 =	vld [tilespmem:s0+$0x40]  }
0x33: {  	v3 =	vld [tilespmem:s0+$0x2710]  }
0x34: {  	v4 =	vld [tilespmem:s0+$0x2720]  }
0x35: {  	v5 =	vld [tilespmem:s0+$0x2730]  }
0x36: {  	v7 =	vld [tilespmem:s0+$0x2740]  }
0x37: {  	v9 =	vld [tilespmem:s0+$0x0]  }
0x38: {  	v15 =	vld [tilespmem:s0+$0x30]  }
0x39: {  	v1 =	vmul.f32 $2.550000000e+02, v1  }
0x3a: {  	v2 =	vmul.f32 $2.550000000e+02, v2;
	v3 =	vmul.f32 $2.550000000e+02, v3  }
0x3b: {  	v4 =	vmul.f32 $2.550000000e+02, v4;
	v5 =	vmul.f32 $2.550000000e+02, v5  }
0x3c: {  	v7 =	vmul.f32 $2.550000000e+02, v7;
	v9 =	vmul.f32 $2.550000000e+02, v9  }
0x3d: {  	v15 =	vmul.f32 $2.550000000e+02, v15;
	v6 =	vtrunc.f32 v1  }
0x3e: {  	v8 =	vtrunc.f32 v2;
	v14 =	vtrunc.f32 v3  }
0x3f: {  	v12 =	vld [tilespmem:s0+$0x10];
	v16 =	vtrunc.f32 v4;
	v6 =	vcvt.f32.s32 v6  }
0x40: {  	v17 =	vtrunc.f32 v5;
	v26 =	vtrunc.f32 v15  }
0x41: {  	v8 =	vcvt.f32.s32 v8;
	v10 =	vcvt.s32.f32 v6  }
0x42: {  	v11 =	vld [tilespmem:s0+$0x4E60];
	v18 =	vtrunc.f32 v7;
	v26 =	vcvt.f32.s32 v26  }
0x43: {  	v13 =	vcvt.s32.f32 v8;
	v6 =	vshll.u32 v6, $0x8;
	v1 =	vsub.f32 v1, v10;
	v10 =	vld [tilespmem:s0+$0x20]  }
0x44: {  	v20 =	vadd.s32 v8, v6;
	v6 =	vmul.f32 $2.550000000e+02, v12;
	v8 =	vand.u32 $0x7F, v8  }
0x45: {  	v2 =	vsub.f32 v2, v13;
	v21 =	vand.u32 $0xFFFFFF80, v20;
	v13 =	vsub.f32 $1.000000000e+00, v1  }
0x46: {  	v8 =	vor.u32 v8, v21;
	v21 =	vcvt.f32.s32 v18;
	v18 =	vtrunc.f32 v6  }
0x47: {  	v19 =	vsub.f32 $1.000000000e+00, v2;
	v1 =	vmul.f32 v1, v11;
	v13 =	vmul.f32 v13, v11  }
0x48: {  	v31 =	vcvt.f32.s32 v18;
	v10 =	vmul.f32 $2.550000000e+02, v10  }
0x49: {  	v12 =	vmul.f32 v13, v19;
	v25 =	vmul.f32 v13, v2  }
0x4a: {  	v8 =	vadd.s32 $0x100, v8;
	v19 =	vmul.f32 v1, v19;
	v13 =	vcvt.f32.s32 v14  }
0x4b: {  	v11 =	vadd.s32 $0x1, v20;
	v14 =	vmul.f32 v1, v2;
	v1 =	vcvt.f32.s32 v16  }
0x4c: {  	v2 =	vcvt.f32.s32 v17;
	v16 =	vtrunc.f32 v9;
	v17 =	vadd.s32 $0x101, v20  }
0x4d: {  	v30 =	vld [tilespmem:s0+$0x4E20];
	v23 =	vtrunc.f32 v10;
	v28 =	vcvt.f32.s32 v16;
	v22 =	vshll.u32 v13, $0x8  }
0x4e: {  	v33 =	vld [tilespmem:s0+$0x4E30];
	v13 =	vcvt.s32.f32 v13;
	v24 =	vshll.u32 v1, $0x8;
	v1 =	vcvt.s32.f32 v1  }
0x4f: {  	v35 =	vld [tilespmem:s0+$0x4E40];
	v27 =	vcvt.s32.f32 v2;
	v34 =	vcvt.f32.s32 v23;
	v2 =	vshll.u32 v2, $0x8  }
0x50: {  	[tilespmem:v20+s2+$0x0] =	vst.idx.add.f32.msk $0xffff, v12;
	v29 =	vsub.f32 v3, v13;
	v3 =	vcvt.s32.f32 v21;
	v32 =	vsub.f32 v4, v1  }
0x51: {  	[tilespmem:v11+s2+$0x0] =	vst.idx.add.f32.msk $0xffff, v25;
	v27 =	vsub.f32 v5, v27;
	v1 =	vcvt.s32.f32 v28;
	v5 =	vcvt.s32.f32 v34  }
0x52: {  	v2 =	vadd.s32 v34, v2;
	[tilespmem:v8+s2+$0x0] =	vst.idx.add.f32.msk $0xffff, v19;
	v8 =	vand.u32 $0x7F, v28;
	v36 =	vsub.f32 v7, v3  }
0x53: {  	[tilespmem:v17+s2+$0x0] =	vst.idx.add.f32.msk $0xffff, v14;
	v14 =	vand.u32 $0x7F, v31;
	v4 =	vsub.f32 $1.000000000e+00, v29;
	v18 =	vsub.f32 v9, v1  }
0x54: {  	v37 =	vld [tilespmem:s0+$0x4E50];
	v3 =	vcvt.s32.f32 v31;
	v1 =	vsub.f32 $1.000000000e+00, v32;
	v13 =	vsub.f32 v10, v5  }
0x55: {  	v5 =	vsub.f32 $1.000000000e+00, v27;
	v10 =	vshll.u32 v21, $0x8;
	v23 =	vmul.f32 v29, v30  }
0x56: {  	v21 =	vmul.f32 v32, v33;
	v16 =	vsub.f32 v6, v3;
	v3 =	vcvt.s32.f32 v26  }
0x57: {  	v38 =	vmul.f32 v4, v30;
	v9 =	vsub.f32 $1.000000000e+00, v36;
	v39 =	vmul.f32 v1, v33  }
0x58: {  	v7 =	vmul.f32 v5, v35;
	v4 =	vadd.s32 v28, v22;
	v1 =	vadd.s32 v26, v10  }
0x59: {  	v10 =	vmul.f32 v27, v35;
	v11 =	vmul.f32 v36, v37;
	v27 =	vand.u32 $0xFFFFFF80, v2  }
0x5a: {  	v28 =	vand.u32 $0x7F, v34;
	v26 =	vand.u32 $0x7F, v26;
	v12 =	vand.u32 $0xFFFFFF80, v4  }
0x5b: {  	v25 =	vand.u32 $0xFFFFFF80, v1;
	v6 =	vsub.f32 v15, v3;
	v3 =	vadd.s32 v31, v24  }
0x5c: {  	v5 =	vmul.f32 v9, v37;
	v24 =	vsub.f32 $1.000000000e+00, v18;
	v22 =	vsub.f32 $1.000000000e+00, v16  }
0x5d: {  	v15 =	vsub.f32 $1.000000000e+00, v13;
	v19 =	vmul.f32 v38, v18;
	v30 =	vor.u32 v8, v12  }
0x5e: {  	v8 =	vmul.f32 v39, v16;
	v29 =	vand.u32 $0xFFFFFF80, v3;
	v9 =	vsub.f32 $1.000000000e+00, v6  }
0x5f: {  	s31 =	simm.s32 $0x0;
	s0 =	simm.s32 $0x10050;
	v20 =	vmul.f32 v38, v24;
	v17 =	vmul.f32 v39, v22;
	v29 =	vor.u32 v14, v29  }
.LBB2_4:
0x60: {  	v31 =	vld [tilespmem:s0+$0x2750];
	v14 =	vmul.f32 v7, v15;
	v12 =	vmul.f32 v7, v13;
	v27 =	vor.u32 v28, v27  }
0x61: {  	v7 =	vmul.f32 v5, v9;
	v5 =	vmul.f32 v5, v6;
	v25 =	vor.u32 v26, v25;
	v28 =	vld [tilespmem:s0+$0x2710]  }
0x62: {  	v24 =	vmul.f32 v23, v24;
	v30 =	vadd.s32 $0x100, v30;
	v18 =	vmul.f32 v23, v18;
	v26 =	vld [tilespmem:s0+$0x40]  }
0x63: {  	s31 =	sadd.s32 $0x5, s31;
	v22 =	vmul.f32 v21, v22;
	v29 =	vadd.s32 $0x100, v29;
	v16 =	vmul.f32 v21, v16;
	v23 =	vld [tilespmem:s0+$0x2720]  }
0x64: {  	v32 =	vmul.f32 v10, v15;
	v13 =	vmul.f32 v10, v13;
	p0 =	slt.u32 s31, $0x26C;
	v27 =	vadd.s32 $0x100, v27;
	v21 =	vld [tilespmem:s0+$0x2730]  }
0x65: {  	v9 =	vmul.f32 v11, v9;
	v10 =	vadd.s32 $0x100, v25;
	v33 =	vld [tilespmem:s0+$0x2740];
	v31 =	vmul.f32 $2.550000000e+02, v31  }
0x66: {  	v34 =	vadd.s32 $0x1, v4;
	v11 =	vmul.f32 v11, v6;
	v25 =	vmul.f32 $2.550000000e+02, v28;
	v28 =	vld [tilespmem:s0+$0x10]  }
0x67: {  	v35 =	vadd.s32 $0x101, v4;
	v6 =	vld [tilespmem:s0+$0x20];
	v26 =	vmul.f32 $2.550000000e+02, v26;
	v15 =	vtrunc.f32 v31  }
0x68: {  	v38 =	vadd.s32 $0x1, v3;
	v23 =	vmul.f32 $2.550000000e+02, v23;
	v36 =	vld [tilespmem:s0+$0x30];
	v37 =	vcvt.f32.s32 v15  }
0x69: {  	v41 =	vadd.s32 $0x101, v3;
	v39 =	vld [tilespmem:s0+$0x0];
	v21 =	vmul.f32 $2.550000000e+02, v21;
	v40 =	vtrunc.f32 v26  }
0x6a: {  	v43 =	vadd.s32 $0x1, v2;
	v15 =	vld [tilespmem:s0+$0x4E20];
	v40 =	vcvt.f32.s32 v40;
	v42 =	vcvt.s32.f32 v37  }
0x6b: {  	v46 =	vadd.s32 $0x101, v2;
	v44 =	vtrunc.f32 v25;
	v33 =	vmul.f32 $2.550000000e+02, v33;
	v45 =	vld [tilespmem:s0+$0x4E60]  }
0x6c: {  	v48 =	vtrunc.f32 v23;
	v47 =	vld [tilespmem:s0+$0x4E30];
	v49 =	vcvt.s32.f32 v40;
	v31 =	vsub.f32 v31, v42  }
0x6d: {  	v37 =	vshll.u32 v37, $0x8;
	v50 =	vtrunc.f32 v21;
	v51 =	vtrunc.f32 v33;
	v42 =	vld [tilespmem:s0+$0x4E40]  }
0x6e: {  	v37 =	vadd.s32 v40, v37;
	v52 =	vld [tilespmem:s0+$0x4E50];
	v26 =	vsub.f32 v26, v49;
	v49 =	vsub.f32 $1.000000000e+00, v31  }
0x6f: {  	v40 =	vand.u32 $0x7F, v40;
	v53 =	vadd.s32 $0x1, v37;
	v54 =	vand.u32 $0xFFFFFF80, v37;
	[tilespmem:v4+s2+$0x0] =	vst.idx.add.f32.msk $0xffff, v20  }
0x70: {  	v40 =	vor.u32 v40, v54;
	v4 =	vsub.f32 $1.000000000e+00, v26;
	v20 =	vmul.f32 v49, v45;
	[tilespmem:v34+s2+$0x0] =	vst.idx.add.f32.msk $0xffff, v19  }
0x71: {  	v28 =	vmul.f32 $2.550000000e+02, v28;
	v19 =	vmul.f32 $2.550000000e+02, v39;
	v34 =	vadd.s32 $0x100, v40;
	[tilespmem:v30+s2+$0x0] =	vst.idx.add.f32.msk $0xffff, v24  }
0x72: {  	v24 =	vmul.f32 v31, v45;
	v31 =	vadd.s32 $0x101, v37;
	v30 =	vmul.f32 v20, v4;
	[tilespmem:v35+s2+$0x0] =	vst.idx.add.f32.msk $0xffff, v18  }
0x73: {  	v6 =	vmul.f32 $2.550000000e+02, v6;
	v18 =	vmul.f32 v20, v26;
	[tilespmem:v3+s2+$0x0] =	vst.idx.add.f32.msk $0xffff, v17;
	v3 =	vadd.s32 $0x1, v1  }
0x74: {  	v20 =	vadd.s32 $0x101, v1;
	v17 =	vmul.f32 $2.550000000e+02, v36;
	v4 =	vmul.f32 v24, v4;
	[tilespmem:v37+s2+$0x0] =	vst.idx.add.f32.msk $0xffff, v30  }
0x75: {  	v30 =	vcvt.f32.s32 v44;
	[tilespmem:v53+s2+$0x0] =	vst.idx.add.f32.msk $0xffff, v18;
	v18 =	vmul.f32 v24, v26  }
0x76: {  	v24 =	vcvt.f32.s32 v48;
	v26 =	vcvt.f32.s32 v50;
	[tilespmem:v34+s2+$0x0] =	vst.idx.add.f32.msk $0xffff, v4  }
0x77: {  	v35 =	vcvt.f32.s32 v51;
	v4 =	vtrunc.f32 v19;
	v34 =	vshll.u32 v30, $0x8;
	[tilespmem:v31+s2+$0x0] =	vst.idx.add.f32.msk $0xffff, v18  }
0x78: {  	v36 =	vtrunc.f32 v6;
	v18 =	vtrunc.f32 v28;
	v31 =	vshll.u32 v24, $0x8;
	[tilespmem:v38+s2+$0x0] =	vst.idx.add.f32.msk $0xffff, v8  }
0x79: {  	v37 =	vtrunc.f32 v17;
	v8 =	vcvt.s32.f32 v30;
	v30 =	vshll.u32 v26, $0x8;
	[tilespmem:v29+s2+$0x0] =	vst.idx.add.f32.msk $0xffff, v22  }
0x7a: {  	v22 =	vcvt.s32.f32 v24;
	v24 =	vcvt.s32.f32 v26;
	v26 =	vshll.u32 v35, $0x8;
	[tilespmem:v41+s2+$0x0] =	vst.idx.add.f32.msk $0xffff, v16  }
0x7b: {  	v29 =	vcvt.f32.s32 v4;
	v4 =	vcvt.s32.f32 v35;
	v8 =	vsub.f32 v25, v8;
	[tilespmem:v2+s2+$0x0] =	vst.idx.add.f32.msk $0xffff, v14  }
0x7c: {  	v35 =	vcvt.f32.s32 v36;
	v14 =	vcvt.f32.s32 v18;
	v25 =	vsub.f32 v23, v22;
	[tilespmem:v43+s2+$0x0] =	vst.idx.add.f32.msk $0xffff, v12  }
0x7d: {  	v36 =	vcvt.f32.s32 v37;
	v33 =	vsub.f32 v33, v4;
	v12 =	vsub.f32 v21, v24;
	[tilespmem:v27+s2+$0x0] =	vst.idx.add.f32.msk $0xffff, v32  }
0x7e: {  	v2 =	vcvt.s32.f32 v29;
	v4 =	vsub.f32 $1.000000000e+00, v8;
	v16 =	vcvt.s32.f32 v14;
	[tilespmem:v46+s2+$0x0] =	vst.idx.add.f32.msk $0xffff, v13  }
0x7f: {  	v22 =	vcvt.s32.f32 v36;
	v21 =	vcvt.s32.f32 v35;
	v13 =	vsub.f32 $1.000000000e+00, v25;
	[tilespmem:v1+s2+$0x0] =	vst.idx.add.f32.msk $0xffff, v7  }
0x80: {  	v23 =	vsub.f32 $1.000000000e+00, v33;
	v32 =	vmul.f32 v4, v15;
	v1 =	vsub.f32 $1.000000000e+00, v12;
	[tilespmem:v3+s2+$0x0] =	vst.idx.add.f32.msk $0xffff, v5  }
0x81: {  	v18 =	vsub.f32 v19, v2;
	v16 =	vsub.f32 v28, v16;
	v37 =	vmul.f32 v13, v47  }
0x82: {  	v13 =	vsub.f32 v6, v21;
	v6 =	vsub.f32 v17, v22;
	v7 =	vmul.f32 v1, v42  }
0x83: {  	v4 =	vadd.s32 v29, v34;
	v3 =	vadd.s32 v14, v31;
	v5 =	vmul.f32 v23, v52  }
0x84: {  	v2 =	vadd.s32 v35, v30;
	v24 =	vsub.f32 $1.000000000e+00, v18;
	v1 =	vadd.s32 v36, v26;
	[tilespmem:v10+s2+$0x0] =	vst.idx.add.f32.msk $0xffff, v9  }
0x85: {  	v23 =	vmul.f32 v8, v15;
	v21 =	vmul.f32 v25, v47;
	v22 =	vsub.f32 $1.000000000e+00, v16;
	[tilespmem:v20+s2+$0x0] =	vst.idx.add.f32.msk $0xffff, v11  }
0x86: {  	v15 =	vsub.f32 $1.000000000e+00, v13;
	v10 =	vmul.f32 v12, v42;
	v9 =	vsub.f32 $1.000000000e+00, v6  }
.Ltmp1:
0x87: {  	v8 =	vand.u32 $0xFFFFFF80, v4;
	v12 =	vand.u32 $0xFFFFFF80, v3;
	v11 =	vmul.f32 v33, v52;
	(pc) =	sbr.rel @p0 .LBB2_4-.Ltmp1, $4  }
0x88: {  	v27 =	vand.u32 $0xFFFFFF80, v2;
	v17 =	vand.u32 $0x7F, v29;
	v25 =	vand.u32 $0xFFFFFF80, v1  }
0x89: {  	v28 =	vand.u32 $0x7F, v35;
	v14 =	vand.u32 $0x7F, v14;
	v26 =	vand.u32 $0x7F, v36  }
0x8a: {  	v19 =	vmul.f32 v32, v18;
	v30 =	vor.u32 v17, v8;
	v20 =	vmul.f32 v32, v24  }
0x8b: {  	s0 =	sadd.s32 $0x50, s0;
	v8 =	vmul.f32 v37, v16;
	v17 =	vmul.f32 v37, v22;
	v29 =	vor.u32 v14, v12  }
0x8c: {  	_ = 	snop  }
0x8d: {  	v12 =	vadd.s32 $0x1, v4  }
0x8e: {  	v31 =	vadd.s32 $0x1, v3  }
0x8f: {  	v14 =	vadd.s32 $0x100, v30  }
0x90: {  	v30 =	vadd.s32 $0x101, v4;
	[tilespmem:v4+s2+$0x0] =	vst.idx.add.f32.msk $0xffff, v20  }
0x91: {  	[tilespmem:v3+s2+$0x0] =	vst.idx.add.f32.msk $0xffff, v17  }
0x92: {  	v24 =	vmul.f32 v23, v24;
	v4 =	vmul.f32 v23, v18;
	v18 =	vadd.s32 $0x100, v29;
	[tilespmem:v12+s2+$0x0] =	vst.idx.add.f32.msk $0xffff, v19  }
0x93: {  	v12 =	vadd.s32 $0x101, v3;
	[tilespmem:v31+s2+$0x0] =	vst.idx.add.f32.msk $0xffff, v8  }
0x94: {  	v19 =	vadd.s32 $0x1, v2;
	v8 =	vmul.f32 v7, v15;
	[tilespmem:v14+s2+$0x0] =	vst.idx.add.f32.msk $0xffff, v24  }
0x95: {  	v14 =	vmul.f32 v21, v22;
	[tilespmem:v30+s2+$0x0] =	vst.idx.add.f32.msk $0xffff, v4  }
0x96: {  	v3 =	vmul.f32 v21, v16;
	v4 =	vor.u32 v28, v27;
	[tilespmem:v2+s2+$0x0] =	vst.idx.add.f32.msk $0xffff, v8  }
0x97: {  	v7 =	vmul.f32 v7, v13;
	v4 =	vadd.s32 $0x100, v4;
	[tilespmem:v18+s2+$0x0] =	vst.idx.add.f32.msk $0xffff, v14  }
0x98: {  	v16 =	vadd.s32 $0x101, v2;
	[tilespmem:v12+s2+$0x0] =	vst.idx.add.f32.msk $0xffff, v3  }
0x99: {  	v14 =	vadd.s32 $0x1, v1;
	v3 =	vor.u32 v26, v25;
	[tilespmem:v19+s2+$0x0] =	vst.idx.add.f32.msk $0xffff, v7;
	v7 =	vmul.f32 v5, v9  }
0x9a: {  	v12 =	vmul.f32 v10, v15;
	v3 =	vadd.s32 $0x100, v3  }
0x9b: {  	v2 =	vmul.f32 v10, v13;
	v8 =	vadd.s32 $0x101, v1;
	[tilespmem:v1+s2+$0x0] =	vst.idx.add.f32.msk $0xffff, v7  }
0x9c: {  	[tilespmem:v4+s2+$0x0] =	vst.idx.add.f32.msk $0xffff, v12;
	v4 =	vmul.f32 v5, v6  }
0x9d: {  	[tilespmem:v16+s2+$0x0] =	vst.idx.add.f32.msk $0xffff, v2;
	v2 =	vmul.f32 v11, v9  }
0x9e: {  	v1 =	vmul.f32 v11, v6;
	[tilespmem:v14+s2+$0x0] =	vst.idx.add.f32.msk $0xffff, v4  }
0x9f: {  	[tilespmem:v3+s2+$0x0] =	vst.idx.add.f32.msk $0xffff, v2  }
0xa0: {  	[tilespmem:v8+s2+$0x0] =	vst.idx.add.f32.msk $0xffff, v1  }
0xa1: {  	_ =	swait.ge [sflag:s26], $0x2710  }
0xa2: {  	[sflag:s26] =	ssyncset.done $0x0  }
0xa3: {  	[sflag:s26] =	ssyncadd.s32 $0xFFFFD8F0  }
0xa4: {  	_ =	swait.ge [sflag:s26], $0x2710  }
0xa5: {  	[sflag:s26] =	ssyncset.done $0x0  }
0xa6: {  	[sflag:s26] =	ssyncadd.s32 $0xFFFFD8F0  }
0xa7: {  	_ =	swait.ge [sflag:s26], $0x2710  }
0xa8: {  	[sflag:s26] =	ssyncset.done $0x0  }
0xa9: {  	[sflag:s26] =	ssyncadd.s32 $0xFFFFD8F0  }
0xaa: {  	[tilespmem:s28], [sflag:$0x1] =	stream.linear.gather [hbm4b:s9+s2], $0x2710, $0x38;
	[tilespmem:$0x1EB00] =	vst v63  }
0xab: {  	_ = 	snop  }
0xac: {  	[tilespmem:s20], [sflag:$0x1] =	stream.linear.gather [hbm4b:s10+s2], $0x2710, $0x38;
	[tilespmem:$0x1EB00] =	vst v63  }
0xad: {  	s0 =	simm.s32 $0x17580  }
0xae: {  	[tilespmem:s21], [sflag:$0x1] =	stream.linear.gather [hbm4b:s11+s2], $0x2710, $0x38;
	[tilespmem:$0x1EB00] =	vst v63  }
0xaf: {  	v1 =	vld [tilespmem:s0+$0x2750]  }
0xb0: {  	v2 =	vld [tilespmem:s0+$0x40]  }
0xb1: {  	v3 =	vld [tilespmem:s0+$0x2710]  }
0xb2: {  	v4 =	vld [tilespmem:s0+$0x2720]  }
0xb3: {  	v5 =	vld [tilespmem:s0+$0x2730]  }
0xb4: {  	v7 =	vld [tilespmem:s0+$0x2740]  }
0xb5: {  	v9 =	vld [tilespmem:s0+$0x0]  }
0xb6: {  	v15 =	vld [tilespmem:s0+$0x30]  }
0xb7: {  	v1 =	vmul.f32 $2.550000000e+02, v1  }
0xb8: {  	v2 =	vmul.f32 $2.550000000e+02, v2;
	v3 =	vmul.f32 $2.550000000e+02, v3  }
0xb9: {  	v4 =	vmul.f32 $2.550000000e+02, v4;
	v5 =	vmul.f32 $2.550000000e+02, v5  }
0xba: {  	v7 =	vmul.f32 $2.550000000e+02, v7;
	v9 =	vmul.f32 $2.550000000e+02, v9  }
0xbb: {  	v15 =	vmul.f32 $2.550000000e+02, v15;
	v6 =	vtrunc.f32 v1  }
0xbc: {  	v8 =	vtrunc.f32 v2;
	v14 =	vtrunc.f32 v3  }
0xbd: {  	v12 =	vld [tilespmem:s0+$0x10];
	v16 =	vtrunc.f32 v4;
	v6 =	vcvt.f32.s32 v6  }
0xbe: {  	v17 =	vtrunc.f32 v5;
	v26 =	vtrunc.f32 v15  }
0xbf: {  	v8 =	vcvt.f32.s32 v8;
	v10 =	vcvt.s32.f32 v6  }
0xc0: {  	v11 =	vld [tilespmem:s0+$0x4E60];
	v18 =	vtrunc.f32 v7;
	v26 =	vcvt.f32.s32 v26  }
0xc1: {  	v13 =	vcvt.s32.f32 v8;
	v6 =	vshll.u32 v6, $0x8;
	v1 =	vsub.f32 v1, v10;
	v10 =	vld [tilespmem:s0+$0x20]  }
0xc2: {  	v20 =	vadd.s32 v8, v6;
	v6 =	vmul.f32 $2.550000000e+02, v12;
	v8 =	vand.u32 $0x7F, v8  }
0xc3: {  	v2 =	vsub.f32 v2, v13;
	v21 =	vand.u32 $0xFFFFFF80, v20;
	v13 =	vsub.f32 $1.000000000e+00, v1  }
0xc4: {  	v8 =	vor.u32 v8, v21;
	v21 =	vcvt.f32.s32 v18;
	v18 =	vtrunc.f32 v6  }
0xc5: {  	v19 =	vsub.f32 $1.000000000e+00, v2;
	v1 =	vmul.f32 v1, v11;
	v13 =	vmul.f32 v13, v11  }
0xc6: {  	v31 =	vcvt.f32.s32 v18;
	v10 =	vmul.f32 $2.550000000e+02, v10  }
0xc7: {  	v12 =	vmul.f32 v13, v19;
	v25 =	vmul.f32 v13, v2  }
0xc8: {  	v8 =	vadd.s32 $0x100, v8;
	v19 =	vmul.f32 v1, v19;
	v13 =	vcvt.f32.s32 v14  }
0xc9: {  	v11 =	vadd.s32 $0x1, v20;
	v14 =	vmul.f32 v1, v2;
	v1 =	vcvt.f32.s32 v16  }
0xca: {  	v2 =	vcvt.f32.s32 v17;
	v16 =	vtrunc.f32 v9;
	v17 =	vadd.s32 $0x101, v20  }
0xcb: {  	v30 =	vld [tilespmem:s0+$0x4E20];
	v23 =	vtrunc.f32 v10;
	v28 =	vcvt.f32.s32 v16;
	v22 =	vshll.u32 v13, $0x8  }
0xcc: {  	v33 =	vld [tilespmem:s0+$0x4E30];
	v13 =	vcvt.s32.f32 v13;
	v24 =	vshll.u32 v1, $0x8;
	v1 =	vcvt.s32.f32 v1  }
0xcd: {  	v35 =	vld [tilespmem:s0+$0x4E40];
	v27 =	vcvt.s32.f32 v2;
	v34 =	vcvt.f32.s32 v23;
	v2 =	vshll.u32 v2, $0x8  }
0xce: {  	[tilespmem:v20+s2+$0x0] =	vst.idx.add.f32.msk $0xffff, v12;
	v29 =	vsub.f32 v3, v13;
	v3 =	vcvt.s32.f32 v21;
	v32 =	vsub.f32 v4, v1  }
0xcf: {  	[tilespmem:v11+s2+$0x0] =	vst.idx.add.f32.msk $0xffff, v25;
	v27 =	vsub.f32 v5, v27;
	v1 =	vcvt.s32.f32 v28;
	v5 =	vcvt.s32.f32 v34  }
0xd0: {  	v2 =	vadd.s32 v34, v2;
	[tilespmem:v8+s2+$0x0] =	vst.idx.add.f32.msk $0xffff, v19;
	v8 =	vand.u32 $0x7F, v28;
	v36 =	vsub.f32 v7, v3  }
0xd1: {  	[tilespmem:v17+s2+$0x0] =	vst.idx.add.f32.msk $0xffff, v14;
	v14 =	vand.u32 $0x7F, v31;
	v4 =	vsub.f32 $1.000000000e+00, v29;
	v18 =	vsub.f32 v9, v1  }
0xd2: {  	v37 =	vld [tilespmem:s0+$0x4E50];
	v3 =	vcvt.s32.f32 v31;
	v1 =	vsub.f32 $1.000000000e+00, v32;
	v13 =	vsub.f32 v10, v5  }
0xd3: {  	v5 =	vsub.f32 $1.000000000e+00, v27;
	v10 =	vshll.u32 v21, $0x8;
	v23 =	vmul.f32 v29, v30  }
0xd4: {  	v21 =	vmul.f32 v32, v33;
	v16 =	vsub.f32 v6, v3;
	v3 =	vcvt.s32.f32 v26  }
0xd5: {  	v38 =	vmul.f32 v4, v30;
	v9 =	vsub.f32 $1.000000000e+00, v36;
	v39 =	vmul.f32 v1, v33  }
0xd6: {  	v7 =	vmul.f32 v5, v35;
	v4 =	vadd.s32 v28, v22;
	v1 =	vadd.s32 v26, v10  }
0xd7: {  	v10 =	vmul.f32 v27, v35;
	v11 =	vmul.f32 v36, v37;
	v27 =	vand.u32 $0xFFFFFF80, v2  }
0xd8: {  	v28 =	vand.u32 $0x7F, v34;
	v26 =	vand.u32 $0x7F, v26;
	v12 =	vand.u32 $0xFFFFFF80, v4  }
0xd9: {  	v25 =	vand.u32 $0xFFFFFF80, v1;
	v6 =	vsub.f32 v15, v3;
	v3 =	vadd.s32 v31, v24  }
0xda: {  	v5 =	vmul.f32 v9, v37;
	v24 =	vsub.f32 $1.000000000e+00, v18;
	v22 =	vsub.f32 $1.000000000e+00, v16  }
0xdb: {  	v15 =	vsub.f32 $1.000000000e+00, v13;
	v19 =	vmul.f32 v38, v18;
	v30 =	vor.u32 v8, v12  }
0xdc: {  	v8 =	vmul.f32 v39, v16;
	v29 =	vand.u32 $0xFFFFFF80, v3;
	v9 =	vsub.f32 $1.000000000e+00, v6  }
0xdd: {  	s31 =	simm.s32 $0x0;
	s0 =	simm.s32 $0x175D0;
	v20 =	vmul.f32 v38, v24;
	v17 =	vmul.f32 v39, v22;
	v29 =	vor.u32 v14, v29  }
.LBB2_6:
0xde: {  	v31 =	vld [tilespmem:s0+$0x2750];
	v14 =	vmul.f32 v7, v15;
	v12 =	vmul.f32 v7, v13;
	v27 =	vor.u32 v28, v27  }
0xdf: {  	v7 =	vmul.f32 v5, v9;
	v5 =	vmul.f32 v5, v6;
	v25 =	vor.u32 v26, v25;
	v28 =	vld [tilespmem:s0+$0x2710]  }
0xe0: {  	v24 =	vmul.f32 v23, v24;
	v30 =	vadd.s32 $0x100, v30;
	v18 =	vmul.f32 v23, v18;
	v26 =	vld [tilespmem:s0+$0x40]  }
0xe1: {  	s31 =	sadd.s32 $0x5, s31;
	v22 =	vmul.f32 v21, v22;
	v29 =	vadd.s32 $0x100, v29;
	v16 =	vmul.f32 v21, v16;
	v23 =	vld [tilespmem:s0+$0x2720]  }
0xe2: {  	v32 =	vmul.f32 v10, v15;
	v13 =	vmul.f32 v10, v13;
	p0 =	slt.u32 s31, $0x26C;
	v27 =	vadd.s32 $0x100, v27;
	v21 =	vld [tilespmem:s0+$0x2730]  }
0xe3: {  	v9 =	vmul.f32 v11, v9;
	v10 =	vadd.s32 $0x100, v25;
	v33 =	vld [tilespmem:s0+$0x2740];
	v31 =	vmul.f32 $2.550000000e+02, v31  }
0xe4: {  	v34 =	vadd.s32 $0x1, v4;
	v11 =	vmul.f32 v11, v6;
	v25 =	vmul.f32 $2.550000000e+02, v28;
	v28 =	vld [tilespmem:s0+$0x10]  }
0xe5: {  	v35 =	vadd.s32 $0x101, v4;
	v6 =	vld [tilespmem:s0+$0x20];
	v26 =	vmul.f32 $2.550000000e+02, v26;
	v15 =	vtrunc.f32 v31  }
0xe6: {  	v38 =	vadd.s32 $0x1, v3;
	v23 =	vmul.f32 $2.550000000e+02, v23;
	v36 =	vld [tilespmem:s0+$0x30];
	v37 =	vcvt.f32.s32 v15  }
0xe7: {  	v41 =	vadd.s32 $0x101, v3;
	v39 =	vld [tilespmem:s0+$0x0];
	v21 =	vmul.f32 $2.550000000e+02, v21;
	v40 =	vtrunc.f32 v26  }
0xe8: {  	v43 =	vadd.s32 $0x1, v2;
	v15 =	vld [tilespmem:s0+$0x4E20];
	v40 =	vcvt.f32.s32 v40;
	v42 =	vcvt.s32.f32 v37  }
0xe9: {  	v46 =	vadd.s32 $0x101, v2;
	v44 =	vtrunc.f32 v25;
	v33 =	vmul.f32 $2.550000000e+02, v33;
	v45 =	vld [tilespmem:s0+$0x4E60]  }
0xea: {  	v48 =	vtrunc.f32 v23;
	v47 =	vld [tilespmem:s0+$0x4E30];
	v49 =	vcvt.s32.f32 v40;
	v31 =	vsub.f32 v31, v42  }
0xeb: {  	v37 =	vshll.u32 v37, $0x8;
	v50 =	vtrunc.f32 v21;
	v51 =	vtrunc.f32 v33;
	v42 =	vld [tilespmem:s0+$0x4E40]  }
0xec: {  	v37 =	vadd.s32 v40, v37;
	v52 =	vld [tilespmem:s0+$0x4E50];
	v26 =	vsub.f32 v26, v49;
	v49 =	vsub.f32 $1.000000000e+00, v31  }
0xed: {  	v40 =	vand.u32 $0x7F, v40;
	v53 =	vadd.s32 $0x1, v37;
	v54 =	vand.u32 $0xFFFFFF80, v37;
	[tilespmem:v4+s2+$0x0] =	vst.idx.add.f32.msk $0xffff, v20  }
0xee: {  	v40 =	vor.u32 v40, v54;
	v4 =	vsub.f32 $1.000000000e+00, v26;
	v20 =	vmul.f32 v49, v45;
	[tilespmem:v34+s2+$0x0] =	vst.idx.add.f32.msk $0xffff, v19  }
0xef: {  	v28 =	vmul.f32 $2.550000000e+02, v28;
	v19 =	vmul.f32 $2.550000000e+02, v39;
	v34 =	vadd.s32 $0x100, v40;
	[tilespmem:v30+s2+$0x0] =	vst.idx.add.f32.msk $0xffff, v24  }
0xf0: {  	v24 =	vmul.f32 v31, v45;
	v31 =	vadd.s32 $0x101, v37;
	v30 =	vmul.f32 v20, v4;
	[tilespmem:v35+s2+$0x0] =	vst.idx.add.f32.msk $0xffff, v18  }
0xf1: {  	v6 =	vmul.f32 $2.550000000e+02, v6;
	v18 =	vmul.f32 v20, v26;
	[tilespmem:v3+s2+$0x0] =	vst.idx.add.f32.msk $0xffff, v17;
	v3 =	vadd.s32 $0x1, v1  }
0xf2: {  	v20 =	vadd.s32 $0x101, v1;
	v17 =	vmul.f32 $2.550000000e+02, v36;
	v4 =	vmul.f32 v24, v4;
	[tilespmem:v37+s2+$0x0] =	vst.idx.add.f32.msk $0xffff, v30  }
0xf3: {  	v30 =	vcvt.f32.s32 v44;
	[tilespmem:v53+s2+$0x0] =	vst.idx.add.f32.msk $0xffff, v18;
	v18 =	vmul.f32 v24, v26  }
0xf4: {  	v24 =	vcvt.f32.s32 v48;
	v26 =	vcvt.f32.s32 v50;
	[tilespmem:v34+s2+$0x0] =	vst.idx.add.f32.msk $0xffff, v4  }
0xf5: {  	v35 =	vcvt.f32.s32 v51;
	v4 =	vtrunc.f32 v19;
	v34 =	vshll.u32 v30, $0x8;
	[tilespmem:v31+s2+$0x0] =	vst.idx.add.f32.msk $0xffff, v18  }
0xf6: {  	v36 =	vtrunc.f32 v6;
	v18 =	vtrunc.f32 v28;
	v31 =	vshll.u32 v24, $0x8;
	[tilespmem:v38+s2+$0x0] =	vst.idx.add.f32.msk $0xffff, v8  }
0xf7: {  	v37 =	vtrunc.f32 v17;
	v8 =	vcvt.s32.f32 v30;
	v30 =	vshll.u32 v26, $0x8;
	[tilespmem:v29+s2+$0x0] =	vst.idx.add.f32.msk $0xffff, v22  }
0xf8: {  	v22 =	vcvt.s32.f32 v24;
	v24 =	vcvt.s32.f32 v26;
	v26 =	vshll.u32 v35, $0x8;
	[tilespmem:v41+s2+$0x0] =	vst.idx.add.f32.msk $0xffff, v16  }
0xf9: {  	v29 =	vcvt.f32.s32 v4;
	v4 =	vcvt.s32.f32 v35;
	v8 =	vsub.f32 v25, v8;
	[tilespmem:v2+s2+$0x0] =	vst.idx.add.f32.msk $0xffff, v14  }
0xfa: {  	v35 =	vcvt.f32.s32 v36;
	v14 =	vcvt.f32.s32 v18;
	v25 =	vsub.f32 v23, v22;
	[tilespmem:v43+s2+$0x0] =	vst.idx.add.f32.msk $0xffff, v12  }
0xfb: {  	v36 =	vcvt.f32.s32 v37;
	v33 =	vsub.f32 v33, v4;
	v12 =	vsub.f32 v21, v24;
	[tilespmem:v27+s2+$0x0] =	vst.idx.add.f32.msk $0xffff, v32  }
0xfc: {  	v2 =	vcvt.s32.f32 v29;
	v4 =	vsub.f32 $1.000000000e+00, v8;
	v16 =	vcvt.s32.f32 v14;
	[tilespmem:v46+s2+$0x0] =	vst.idx.add.f32.msk $0xffff, v13  }
0xfd: {  	v22 =	vcvt.s32.f32 v36;
	v21 =	vcvt.s32.f32 v35;
	v13 =	vsub.f32 $1.000000000e+00, v25;
	[tilespmem:v1+s2+$0x0] =	vst.idx.add.f32.msk $0xffff, v7  }
0xfe: {  	v23 =	vsub.f32 $1.000000000e+00, v33;
	v32 =	vmul.f32 v4, v15;
	v1 =	vsub.f32 $1.000000000e+00, v12;
	[tilespmem:v3+s2+$0x0] =	vst.idx.add.f32.msk $0xffff, v5  }
0xff: {  	v18 =	vsub.f32 v19, v2;
	v16 =	vsub.f32 v28, v16;
	v37 =	vmul.f32 v13, v47  }
0x100: {  	v13 =	vsub.f32 v6, v21;
	v6 =	vsub.f32 v17, v22;
	v7 =	vmul.f32 v1, v42  }
0x101: {  	v4 =	vadd.s32 v29, v34;
	v3 =	vadd.s32 v14, v31;
	v5 =	vmul.f32 v23, v52  }
0x102: {  	v2 =	vadd.s32 v35, v30;
	v24 =	vsub.f32 $1.000000000e+00, v18;
	v1 =	vadd.s32 v36, v26;
	[tilespmem:v10+s2+$0x0] =	vst.idx.add.f32.msk $0xffff, v9  }
0x103: {  	v23 =	vmul.f32 v8, v15;
	v21 =	vmul.f32 v25, v47;
	v22 =	vsub.f32 $1.000000000e+00, v16;
	[tilespmem:v20+s2+$0x0] =	vst.idx.add.f32.msk $0xffff, v11  }
0x104: {  	v15 =	vsub.f32 $1.000000000e+00, v13;
	v10 =	vmul.f32 v12, v42;
	v9 =	vsub.f32 $1.000000000e+00, v6  }
.Ltmp2:
0x105: {  	v8 =	vand.u32 $0xFFFFFF80, v4;
	v12 =	vand.u32 $0xFFFFFF80, v3;
	v11 =	vmul.f32 v33, v52;
	(pc) =	sbr.rel @p0 .LBB2_6-.Ltmp2, $4  }
0x106: {  	v27 =	vand.u32 $0xFFFFFF80, v2;
	v17 =	vand.u32 $0x7F, v29;
	v25 =	vand.u32 $0xFFFFFF80, v1  }
0x107: {  	v28 =	vand.u32 $0x7F, v35;
	v14 =	vand.u32 $0x7F, v14;
	v26 =	vand.u32 $0x7F, v36  }
0x108: {  	v19 =	vmul.f32 v32, v18;
	v30 =	vor.u32 v17, v8;
	v20 =	vmul.f32 v32, v24  }
0x109: {  	s0 =	sadd.s32 $0x50, s0;
	v8 =	vmul.f32 v37, v16;
	v17 =	vmul.f32 v37, v22;
	v29 =	vor.u32 v14, v12  }
0x10a: {  	_ = 	snop  }
0x10b: {  	v12 =	vadd.s32 $0x1, v4  }
0x10c: {  	v31 =	vadd.s32 $0x1, v3  }
0x10d: {  	v14 =	vadd.s32 $0x100, v30  }
0x10e: {  	v30 =	vadd.s32 $0x101, v4;
	[tilespmem:v4+s2+$0x0] =	vst.idx.add.f32.msk $0xffff, v20  }
0x10f: {  	[tilespmem:v3+s2+$0x0] =	vst.idx.add.f32.msk $0xffff, v17  }
0x110: {  	v24 =	vmul.f32 v23, v24;
	v4 =	vmul.f32 v23, v18;
	v18 =	vadd.s32 $0x100, v29;
	[tilespmem:v12+s2+$0x0] =	vst.idx.add.f32.msk $0xffff, v19  }
0x111: {  	v12 =	vadd.s32 $0x101, v3;
	[tilespmem:v31+s2+$0x0] =	vst.idx.add.f32.msk $0xffff, v8  }
0x112: {  	v19 =	vadd.s32 $0x1, v2;
	v8 =	vmul.f32 v7, v15;
	[tilespmem:v14+s2+$0x0] =	vst.idx.add.f32.msk $0xffff, v24  }
0x113: {  	v14 =	vmul.f32 v21, v22;
	[tilespmem:v30+s2+$0x0] =	vst.idx.add.f32.msk $0xffff, v4  }
0x114: {  	v3 =	vmul.f32 v21, v16;
	v4 =	vor.u32 v28, v27;
	[tilespmem:v2+s2+$0x0] =	vst.idx.add.f32.msk $0xffff, v8  }
0x115: {  	v7 =	vmul.f32 v7, v13;
	v4 =	vadd.s32 $0x100, v4;
	[tilespmem:v18+s2+$0x0] =	vst.idx.add.f32.msk $0xffff, v14  }
0x116: {  	v16 =	vadd.s32 $0x101, v2;
	[tilespmem:v12+s2+$0x0] =	vst.idx.add.f32.msk $0xffff, v3  }
0x117: {  	v14 =	vadd.s32 $0x1, v1;
	v3 =	vor.u32 v26, v25;
	[tilespmem:v19+s2+$0x0] =	vst.idx.add.f32.msk $0xffff, v7;
	v7 =	vmul.f32 v5, v9  }
0x118: {  	v12 =	vmul.f32 v10, v15;
	v3 =	vadd.s32 $0x100, v3  }
0x119: {  	v2 =	vmul.f32 v10, v13;
	v8 =	vadd.s32 $0x101, v1;
	[tilespmem:v1+s2+$0x0] =	vst.idx.add.f32.msk $0xffff, v7  }
0x11a: {  	[tilespmem:v4+s2+$0x0] =	vst.idx.add.f32.msk $0xffff, v12;
	v4 =	vmul.f32 v5, v6  }
0x11b: {  	[tilespmem:v16+s2+$0x0] =	vst.idx.add.f32.msk $0xffff, v2;
	v2 =	vmul.f32 v11, v9  }
0x11c: {  	v1 =	vmul.f32 v11, v6;
	[tilespmem:v14+s2+$0x0] =	vst.idx.add.f32.msk $0xffff, v4  }
0x11d: {  	[tilespmem:v3+s2+$0x0] =	vst.idx.add.f32.msk $0xffff, v2  }
0x11e: {  	[tilespmem:v8+s2+$0x0] =	vst.idx.add.f32.msk $0xffff, v1  }
0x11f: {  	_ =	swait.ge [sflag:s22], $0x2710  }
0x120: {  	[sflag:s22] =	ssyncset.done $0x0  }
0x121: {  	[sflag:s22] =	ssyncadd.s32 $0xFFFFD8F0  }
0x122: {  	_ =	swait.ge [sflag:s22], $0x2710  }
0x123: {  	[sflag:s22] =	ssyncset.done $0x0  }
0x124: {  	[sflag:s22] =	ssyncadd.s32 $0xFFFFD8F0  }
0x125: {  	_ =	swait.ge [sflag:s22], $0x2710  }
0x126: {  	[sflag:s22] =	ssyncset.done $0x0  }
0x127: {  	[sflag:s22] =	ssyncadd.s32 $0xFFFFD8F0  }
0x128: {  	[tilespmem:s23], [sflag:$0x2] =	stream.linear.gather [hbm4b:s12+s2], $0x2710, $0x38;
	[tilespmem:$0x1EB00] =	vst v63  }
0x129: {  	_ = 	snop  }
0x12a: {  	[tilespmem:s24], [sflag:$0x2] =	stream.linear.gather [hbm4b:s13+s2], $0x2710, $0x38;
	[tilespmem:$0x1EB00] =	vst v63  }
0x12b: {  	s0 =	simm.s32 $0x10000  }
0x12c: {  	[tilespmem:s25], [sflag:$0x2] =	stream.linear.gather [hbm4b:s14+s2], $0x2710, $0x38;
	[tilespmem:$0x1EB00] =	vst v63  }
0x12d: {  	v1 =	vld [tilespmem:s0+$0x2750]  }
0x12e: {  	v2 =	vld [tilespmem:s0+$0x40]  }
0x12f: {  	v3 =	vld [tilespmem:s0+$0x2710]  }
0x130: {  	v4 =	vld [tilespmem:s0+$0x2720]  }
0x131: {  	v5 =	vld [tilespmem:s0+$0x2730]  }
0x132: {  	v7 =	vld [tilespmem:s0+$0x2740]  }
0x133: {  	v9 =	vld [tilespmem:s0+$0x0]  }
0x134: {  	v15 =	vld [tilespmem:s0+$0x30]  }
0x135: {  	v1 =	vmul.f32 $2.550000000e+02, v1  }
0x136: {  	v2 =	vmul.f32 $2.550000000e+02, v2;
	v3 =	vmul.f32 $2.550000000e+02, v3  }
0x137: {  	v4 =	vmul.f32 $2.550000000e+02, v4;
	v5 =	vmul.f32 $2.550000000e+02, v5  }
0x138: {  	v7 =	vmul.f32 $2.550000000e+02, v7;
	v9 =	vmul.f32 $2.550000000e+02, v9  }
0x139: {  	v15 =	vmul.f32 $2.550000000e+02, v15;
	v6 =	vtrunc.f32 v1  }
0x13a: {  	v8 =	vtrunc.f32 v2;
	v14 =	vtrunc.f32 v3  }
0x13b: {  	v12 =	vld [tilespmem:s0+$0x10];
	v16 =	vtrunc.f32 v4;
	v6 =	vcvt.f32.s32 v6  }
0x13c: {  	v17 =	vtrunc.f32 v5;
	v26 =	vtrunc.f32 v15  }
0x13d: {  	v8 =	vcvt.f32.s32 v8;
	v10 =	vcvt.s32.f32 v6  }
0x13e: {  	v11 =	vld [tilespmem:s0+$0x4E60];
	v18 =	vtrunc.f32 v7;
	v26 =	vcvt.f32.s32 v26  }
0x13f: {  	v13 =	vcvt.s32.f32 v8;
	v6 =	vshll.u32 v6, $0x8;
	v1 =	vsub.f32 v1, v10;
	v10 =	vld [tilespmem:s0+$0x20]  }
0x140: {  	v20 =	vadd.s32 v8, v6;
	v6 =	vmul.f32 $2.550000000e+02, v12;
	v8 =	vand.u32 $0x7F, v8  }
0x141: {  	v2 =	vsub.f32 v2, v13;
	v21 =	vand.u32 $0xFFFFFF80, v20;
	v13 =	vsub.f32 $1.000000000e+00, v1  }
0x142: {  	v8 =	vor.u32 v8, v21;
	v21 =	vcvt.f32.s32 v18;
	v18 =	vtrunc.f32 v6  }
0x143: {  	v19 =	vsub.f32 $1.000000000e+00, v2;
	v1 =	vmul.f32 v1, v11;
	v13 =	vmul.f32 v13, v11  }
0x144: {  	v31 =	vcvt.f32.s32 v18;
	v10 =	vmul.f32 $2.550000000e+02, v10  }
0x145: {  	v12 =	vmul.f32 v13, v19;
	v25 =	vmul.f32 v13, v2  }
0x146: {  	v8 =	vadd.s32 $0x100, v8;
	v19 =	vmul.f32 v1, v19;
	v13 =	vcvt.f32.s32 v14  }
0x147: {  	v11 =	vadd.s32 $0x1, v20;
	v14 =	vmul.f32 v1, v2;
	v1 =	vcvt.f32.s32 v16  }
0x148: {  	v2 =	vcvt.f32.s32 v17;
	v16 =	vtrunc.f32 v9;
	v17 =	vadd.s32 $0x101, v20  }
0x149: {  	v30 =	vld [tilespmem:s0+$0x4E20];
	v23 =	vtrunc.f32 v10;
	v28 =	vcvt.f32.s32 v16;
	v22 =	vshll.u32 v13, $0x8  }
0x14a: {  	v33 =	vld [tilespmem:s0+$0x4E30];
	v13 =	vcvt.s32.f32 v13;
	v24 =	vshll.u32 v1, $0x8;
	v1 =	vcvt.s32.f32 v1  }
0x14b: {  	v35 =	vld [tilespmem:s0+$0x4E40];
	v27 =	vcvt.s32.f32 v2;
	v34 =	vcvt.f32.s32 v23;
	v2 =	vshll.u32 v2, $0x8  }
0x14c: {  	[tilespmem:v20+s2+$0x0] =	vst.idx.add.f32.msk $0xffff, v12;
	v29 =	vsub.f32 v3, v13;
	v3 =	vcvt.s32.f32 v21;
	v32 =	vsub.f32 v4, v1  }
0x14d: {  	[tilespmem:v11+s2+$0x0] =	vst.idx.add.f32.msk $0xffff, v25;
	v27 =	vsub.f32 v5, v27;
	v1 =	vcvt.s32.f32 v28;
	v5 =	vcvt.s32.f32 v34  }
0x14e: {  	v2 =	vadd.s32 v34, v2;
	[tilespmem:v8+s2+$0x0] =	vst.idx.add.f32.msk $0xffff, v19;
	v8 =	vand.u32 $0x7F, v28;
	v36 =	vsub.f32 v7, v3  }
0x14f: {  	[tilespmem:v17+s2+$0x0] =	vst.idx.add.f32.msk $0xffff, v14;
	v14 =	vand.u32 $0x7F, v31;
	v4 =	vsub.f32 $1.000000000e+00, v29;
	v18 =	vsub.f32 v9, v1  }
0x150: {  	v37 =	vld [tilespmem:s0+$0x4E50];
	v3 =	vcvt.s32.f32 v31;
	v1 =	vsub.f32 $1.000000000e+00, v32;
	v13 =	vsub.f32 v10, v5  }
0x151: {  	v5 =	vsub.f32 $1.000000000e+00, v27;
	v10 =	vshll.u32 v21, $0x8;
	v23 =	vmul.f32 v29, v30  }
0x152: {  	v21 =	vmul.f32 v32, v33;
	v16 =	vsub.f32 v6, v3;
	v3 =	vcvt.s32.f32 v26  }
0x153: {  	v38 =	vmul.f32 v4, v30;
	v9 =	vsub.f32 $1.000000000e+00, v36;
	v39 =	vmul.f32 v1, v33  }
0x154: {  	v7 =	vmul.f32 v5, v35;
	v4 =	vadd.s32 v28, v22;
	v1 =	vadd.s32 v26, v10  }
0x155: {  	v10 =	vmul.f32 v27, v35;
	v11 =	vmul.f32 v36, v37;
	v27 =	vand.u32 $0xFFFFFF80, v2  }
0x156: {  	v28 =	vand.u32 $0x7F, v34;
	v26 =	vand.u32 $0x7F, v26;
	v12 =	vand.u32 $0xFFFFFF80, v4  }
0x157: {  	v25 =	vand.u32 $0xFFFFFF80, v1;
	v6 =	vsub.f32 v15, v3;
	v3 =	vadd.s32 v31, v24  }
0x158: {  	v5 =	vmul.f32 v9, v37;
	v24 =	vsub.f32 $1.000000000e+00, v18;
	v22 =	vsub.f32 $1.000000000e+00, v16  }
0x159: {  	v15 =	vsub.f32 $1.000000000e+00, v13;
	v19 =	vmul.f32 v38, v18;
	v30 =	vor.u32 v8, v12  }
0x15a: {  	v8 =	vmul.f32 v39, v16;
	v29 =	vand.u32 $0xFFFFFF80, v3;
	v9 =	vsub.f32 $1.000000000e+00, v6  }
0x15b: {  	s31 =	simm.s32 $0x0;
	s0 =	simm.s32 $0x10050;
	v20 =	vmul.f32 v38, v24;
	v17 =	vmul.f32 v39, v22;
	v29 =	vor.u32 v14, v29  }
.LBB2_8:
0x15c: {  	v31 =	vld [tilespmem:s0+$0x2750];
	v14 =	vmul.f32 v7, v15;
	v12 =	vmul.f32 v7, v13;
	v27 =	vor.u32 v28, v27  }
0x15d: {  	v7 =	vmul.f32 v5, v9;
	v5 =	vmul.f32 v5, v6;
	v25 =	vor.u32 v26, v25;
	v28 =	vld [tilespmem:s0+$0x2710]  }
0x15e: {  	v24 =	vmul.f32 v23, v24;
	v30 =	vadd.s32 $0x100, v30;
	v18 =	vmul.f32 v23, v18;
	v26 =	vld [tilespmem:s0+$0x40]  }
0x15f: {  	s31 =	sadd.s32 $0x5, s31;
	v22 =	vmul.f32 v21, v22;
	v29 =	vadd.s32 $0x100, v29;
	v16 =	vmul.f32 v21, v16;
	v23 =	vld [tilespmem:s0+$0x2720]  }
0x160: {  	v32 =	vmul.f32 v10, v15;
	v13 =	vmul.f32 v10, v13;
	p0 =	slt.u32 s31, $0x26C;
	v27 =	vadd.s32 $0x100, v27;
	v21 =	vld [tilespmem:s0+$0x2730]  }
0x161: {  	v9 =	vmul.f32 v11, v9;
	v10 =	vadd.s32 $0x100, v25;
	v33 =	vld [tilespmem:s0+$0x2740];
	v31 =	vmul.f32 $2.550000000e+02, v31  }
0x162: {  	v34 =	vadd.s32 $0x1, v4;
	v11 =	vmul.f32 v11, v6;
	v25 =	vmul.f32 $2.550000000e+02, v28;
	v28 =	vld [tilespmem:s0+$0x10]  }
0x163: {  	v35 =	vadd.s32 $0x101, v4;
	v6 =	vld [tilespmem:s0+$0x20];
	v26 =	vmul.f32 $2.550000000e+02, v26;
	v15 =	vtrunc.f32 v31  }
0x164: {  	v38 =	vadd.s32 $0x1, v3;
	v23 =	vmul.f32 $2.550000000e+02, v23;
	v36 =	vld [tilespmem:s0+$0x30];
	v37 =	vcvt.f32.s32 v15  }
0x165: {  	v41 =	vadd.s32 $0x101, v3;
	v39 =	vld [tilespmem:s0+$0x0];
	v21 =	vmul.f32 $2.550000000e+02, v21;
	v40 =	vtrunc.f32 v26  }
0x166: {  	v43 =	vadd.s32 $0x1, v2;
	v15 =	vld [tilespmem:s0+$0x4E20];
	v40 =	vcvt.f32.s32 v40;
	v42 =	vcvt.s32.f32 v37  }
0x167: {  	v46 =	vadd.s32 $0x101, v2;
	v44 =	vtrunc.f32 v25;
	v33 =	vmul.f32 $2.550000000e+02, v33;
	v45 =	vld [tilespmem:s0+$0x4E60]  }
0x168: {  	v48 =	vtrunc.f32 v23;
	v47 =	vld [tilespmem:s0+$0x4E30];
	v49 =	vcvt.s32.f32 v40;
	v31 =	vsub.f32 v31, v42  }
0x169: {  	v37 =	vshll.u32 v37, $0x8;
	v50 =	vtrunc.f32 v21;
	v51 =	vtrunc.f32 v33;
	v42 =	vld [tilespmem:s0+$0x4E40]  }
0x16a: {  	v37 =	vadd.s32 v40, v37;
	v52 =	vld [tilespmem:s0+$0x4E50];
	v26 =	vsub.f32 v26, v49;
	v49 =	vsub.f32 $1.000000000e+00, v31  }
0x16b: {  	v40 =	vand.u32 $0x7F, v40;
	v53 =	vadd.s32 $0x1, v37;
	v54 =	vand.u32 $0xFFFFFF80, v37;
	[tilespmem:v4+s2+$0x0] =	vst.idx.add.f32.msk $0xffff, v20  }
0x16c: {  	v40 =	vor.u32 v40, v54;
	v4 =	vsub.f32 $1.000000000e+00, v26;
	v20 =	vmul.f32 v49, v45;
	[tilespmem:v34+s2+$0x0] =	vst.idx.add.f32.msk $0xffff, v19  }
0x16d: {  	v28 =	vmul.f32 $2.550000000e+02, v28;
	v19 =	vmul.f32 $2.550000000e+02, v39;
	v34 =	vadd.s32 $0x100, v40;
	[tilespmem:v30+s2+$0x0] =	vst.idx.add.f32.msk $0xffff, v24  }
0x16e: {  	v24 =	vmul.f32 v31, v45;
	v31 =	vadd.s32 $0x101, v37;
	v30 =	vmul.f32 v20, v4;
	[tilespmem:v35+s2+$0x0] =	vst.idx.add.f32.msk $0xffff, v18  }
0x16f: {  	v6 =	vmul.f32 $2.550000000e+02, v6;
	v18 =	vmul.f32 v20, v26;
	[tilespmem:v3+s2+$0x0] =	vst.idx.add.f32.msk $0xffff, v17;
	v3 =	vadd.s32 $0x1, v1  }
0x170: {  	v20 =	vadd.s32 $0x101, v1;
	v17 =	vmul.f32 $2.550000000e+02, v36;
	v4 =	vmul.f32 v24, v4;
	[tilespmem:v37+s2+$0x0] =	vst.idx.add.f32.msk $0xffff, v30  }
0x171: {  	v30 =	vcvt.f32.s32 v44;
	[tilespmem:v53+s2+$0x0] =	vst.idx.add.f32.msk $0xffff, v18;
	v18 =	vmul.f32 v24, v26  }
0x172: {  	v24 =	vcvt.f32.s32 v48;
	v26 =	vcvt.f32.s32 v50;
	[tilespmem:v34+s2+$0x0] =	vst.idx.add.f32.msk $0xffff, v4  }
0x173: {  	v35 =	vcvt.f32.s32 v51;
	v4 =	vtrunc.f32 v19;
	v34 =	vshll.u32 v30, $0x8;
	[tilespmem:v31+s2+$0x0] =	vst.idx.add.f32.msk $0xffff, v18  }
0x174: {  	v36 =	vtrunc.f32 v6;
	v18 =	vtrunc.f32 v28;
	v31 =	vshll.u32 v24, $0x8;
	[tilespmem:v38+s2+$0x0] =	vst.idx.add.f32.msk $0xffff, v8  }
0x175: {  	v37 =	vtrunc.f32 v17;
	v8 =	vcvt.s32.f32 v30;
	v30 =	vshll.u32 v26, $0x8;
	[tilespmem:v29+s2+$0x0] =	vst.idx.add.f32.msk $0xffff, v22  }
0x176: {  	v22 =	vcvt.s32.f32 v24;
	v24 =	vcvt.s32.f32 v26;
	v26 =	vshll.u32 v35, $0x8;
	[tilespmem:v41+s2+$0x0] =	vst.idx.add.f32.msk $0xffff, v16  }
0x177: {  	v29 =	vcvt.f32.s32 v4;
	v4 =	vcvt.s32.f32 v35;
	v8 =	vsub.f32 v25, v8;
	[tilespmem:v2+s2+$0x0] =	vst.idx.add.f32.msk $0xffff, v14  }
0x178: {  	v35 =	vcvt.f32.s32 v36;
	v14 =	vcvt.f32.s32 v18;
	v25 =	vsub.f32 v23, v22;
	[tilespmem:v43+s2+$0x0] =	vst.idx.add.f32.msk $0xffff, v12  }
0x179: {  	v36 =	vcvt.f32.s32 v37;
	v33 =	vsub.f32 v33, v4;
	v12 =	vsub.f32 v21, v24;
	[tilespmem:v27+s2+$0x0] =	vst.idx.add.f32.msk $0xffff, v32  }
0x17a: {  	v2 =	vcvt.s32.f32 v29;
	v4 =	vsub.f32 $1.000000000e+00, v8;
	v16 =	vcvt.s32.f32 v14;
	[tilespmem:v46+s2+$0x0] =	vst.idx.add.f32.msk $0xffff, v13  }
0x17b: {  	v22 =	vcvt.s32.f32 v36;
	v21 =	vcvt.s32.f32 v35;
	v13 =	vsub.f32 $1.000000000e+00, v25;
	[tilespmem:v1+s2+$0x0] =	vst.idx.add.f32.msk $0xffff, v7  }
0x17c: {  	v23 =	vsub.f32 $1.000000000e+00, v33;
	v32 =	vmul.f32 v4, v15;
	v1 =	vsub.f32 $1.000000000e+00, v12;
	[tilespmem:v3+s2+$0x0] =	vst.idx.add.f32.msk $0xffff, v5  }
0x17d: {  	v18 =	vsub.f32 v19, v2;
	v16 =	vsub.f32 v28, v16;
	v37 =	vmul.f32 v13, v47  }
0x17e: {  	v13 =	vsub.f32 v6, v21;
	v6 =	vsub.f32 v17, v22;
	v7 =	vmul.f32 v1, v42  }
0x17f: {  	v4 =	vadd.s32 v29, v34;
	v3 =	vadd.s32 v14, v31;
	v5 =	vmul.f32 v23, v52  }
0x180: {  	v2 =	vadd.s32 v35, v30;
	v24 =	vsub.f32 $1.000000000e+00, v18;
	v1 =	vadd.s32 v36, v26;
	[tilespmem:v10+s2+$0x0] =	vst.idx.add.f32.msk $0xffff, v9  }
0x181: {  	v23 =	vmul.f32 v8, v15;
	v21 =	vmul.f32 v25, v47;
	v22 =	vsub.f32 $1.000000000e+00, v16;
	[tilespmem:v20+s2+$0x0] =	vst.idx.add.f32.msk $0xffff, v11  }
0x182: {  	v15 =	vsub.f32 $1.000000000e+00, v13;
	v10 =	vmul.f32 v12, v42;
	v9 =	vsub.f32 $1.000000000e+00, v6  }
.Ltmp3:
0x183: {  	v8 =	vand.u32 $0xFFFFFF80, v4;
	v12 =	vand.u32 $0xFFFFFF80, v3;
	v11 =	vmul.f32 v33, v52;
	(pc) =	sbr.rel @p0 .LBB2_8-.Ltmp3, $4  }
0x184: {  	v27 =	vand.u32 $0xFFFFFF80, v2;
	v17 =	vand.u32 $0x7F, v29;
	v25 =	vand.u32 $0xFFFFFF80, v1  }
0x185: {  	v28 =	vand.u32 $0x7F, v35;
	v14 =	vand.u32 $0x7F, v14;
	v26 =	vand.u32 $0x7F, v36  }
0x186: {  	v19 =	vmul.f32 v32, v18;
	v30 =	vor.u32 v17, v8;
	v20 =	vmul.f32 v32, v24  }
0x187: {  	s0 =	sadd.s32 $0x50, s0;
	v8 =	vmul.f32 v37, v16;
	v17 =	vmul.f32 v37, v22;
	v29 =	vor.u32 v14, v12  }
0x188: {  	_ = 	snop  }
0x189: {  	v12 =	vadd.s32 $0x1, v4  }
0x18a: {  	v31 =	vadd.s32 $0x1, v3  }
0x18b: {  	v14 =	vadd.s32 $0x100, v30  }
0x18c: {  	v30 =	vadd.s32 $0x101, v4;
	[tilespmem:v4+s2+$0x0] =	vst.idx.add.f32.msk $0xffff, v20  }
0x18d: {  	[tilespmem:v3+s2+$0x0] =	vst.idx.add.f32.msk $0xffff, v17  }
0x18e: {  	v24 =	vmul.f32 v23, v24;
	v4 =	vmul.f32 v23, v18;
	v18 =	vadd.s32 $0x100, v29;
	[tilespmem:v12+s2+$0x0] =	vst.idx.add.f32.msk $0xffff, v19  }
0x18f: {  	v12 =	vadd.s32 $0x101, v3;
	[tilespmem:v31+s2+$0x0] =	vst.idx.add.f32.msk $0xffff, v8  }
0x190: {  	v19 =	vadd.s32 $0x1, v2;
	v8 =	vmul.f32 v7, v15;
	[tilespmem:v14+s2+$0x0] =	vst.idx.add.f32.msk $0xffff, v24  }
0x191: {  	v14 =	vmul.f32 v21, v22;
	[tilespmem:v30+s2+$0x0] =	vst.idx.add.f32.msk $0xffff, v4  }
0x192: {  	v3 =	vmul.f32 v21, v16;
	v4 =	vor.u32 v28, v27;
	[tilespmem:v2+s2+$0x0] =	vst.idx.add.f32.msk $0xffff, v8  }
0x193: {  	v7 =	vmul.f32 v7, v13;
	v4 =	vadd.s32 $0x100, v4;
	[tilespmem:v18+s2+$0x0] =	vst.idx.add.f32.msk $0xffff, v14  }
0x194: {  	v16 =	vadd.s32 $0x101, v2;
	[tilespmem:v12+s2+$0x0] =	vst.idx.add.f32.msk $0xffff, v3  }
0x195: {  	v14 =	vadd.s32 $0x1, v1;
	v3 =	vor.u32 v26, v25;
	[tilespmem:v19+s2+$0x0] =	vst.idx.add.f32.msk $0xffff, v7;
	v7 =	vmul.f32 v5, v9  }
0x196: {  	v12 =	vmul.f32 v10, v15;
	v3 =	vadd.s32 $0x100, v3  }
0x197: {  	v2 =	vmul.f32 v10, v13;
	v8 =	vadd.s32 $0x101, v1;
	[tilespmem:v1+s2+$0x0] =	vst.idx.add.f32.msk $0xffff, v7  }
0x198: {  	[tilespmem:v4+s2+$0x0] =	vst.idx.add.f32.msk $0xffff, v12;
	v4 =	vmul.f32 v5, v6  }
0x199: {  	[tilespmem:v16+s2+$0x0] =	vst.idx.add.f32.msk $0xffff, v2;
	v2 =	vmul.f32 v11, v9  }
0x19a: {  	v1 =	vmul.f32 v11, v6;
	[tilespmem:v14+s2+$0x0] =	vst.idx.add.f32.msk $0xffff, v4  }
0x19b: {  	[tilespmem:v3+s2+$0x0] =	vst.idx.add.f32.msk $0xffff, v2  }
0x19c: {  	[tilespmem:v8+s2+$0x0] =	vst.idx.add.f32.msk $0xffff, v1  }
0x19d: {  	_ =	swait.ge [sflag:s26], $0x2710  }
0x19e: {  	[sflag:s26] =	ssyncset.done $0x0  }
0x19f: {  	[sflag:s26] =	ssyncadd.s32 $0xFFFFD8F0  }
0x1a0: {  	_ =	swait.ge [sflag:s26], $0x2710  }
0x1a1: {  	[sflag:s26] =	ssyncset.done $0x0  }
0x1a2: {  	[sflag:s26] =	ssyncadd.s32 $0xFFFFD8F0  }
0x1a3: {  	_ =	swait.ge [sflag:s26], $0x2710  }
0x1a4: {  	[sflag:s26] =	ssyncset.done $0x0  }
0x1a5: {  	[sflag:s26] =	ssyncadd.s32 $0xFFFFD8F0  }
0x1a6: {  	[tilespmem:s28], [sflag:$0x1] =	stream.linear.gather [hbm4b:s15+s2], $0x2710, $0x38;
	[tilespmem:$0x1EB00] =	vst v63  }
0x1a7: {  	_ = 	snop  }
0x1a8: {  	[tilespmem:s20], [sflag:$0x1] =	stream.linear.gather [hbm4b:s16+s2], $0x2710, $0x38;
	[tilespmem:$0x1EB00] =	vst v63  }
0x1a9: {  	s0 =	simm.s32 $0x17580  }
0x1aa: {  	[tilespmem:s21], [sflag:$0x1] =	stream.linear.gather [hbm4b:s17+s2], $0x2710, $0x38;
	[tilespmem:$0x1EB00] =	vst v63  }
0x1ab: {  	v1 =	vld [tilespmem:s0+$0x2750]  }
0x1ac: {  	v2 =	vld [tilespmem:s0+$0x40]  }
0x1ad: {  	v3 =	vld [tilespmem:s0+$0x2710]  }
0x1ae: {  	v4 =	vld [tilespmem:s0+$0x2720]  }
0x1af: {  	v5 =	vld [tilespmem:s0+$0x2730]  }
0x1b0: {  	v7 =	vld [tilespmem:s0+$0x2740]  }
0x1b1: {  	v9 =	vld [tilespmem:s0+$0x0]  }
0x1b2: {  	v15 =	vld [tilespmem:s0+$0x30]  }
0x1b3: {  	v1 =	vmul.f32 $2.550000000e+02, v1  }
0x1b4: {  	v2 =	vmul.f32 $2.550000000e+02, v2;
	v3 =	vmul.f32 $2.550000000e+02, v3  }
0x1b5: {  	v4 =	vmul.f32 $2.550000000e+02, v4;
	v5 =	vmul.f32 $2.550000000e+02, v5  }
0x1b6: {  	v7 =	vmul.f32 $2.550000000e+02, v7;
	v9 =	vmul.f32 $2.550000000e+02, v9  }
0x1b7: {  	v15 =	vmul.f32 $2.550000000e+02, v15;
	v6 =	vtrunc.f32 v1  }
0x1b8: {  	v8 =	vtrunc.f32 v2;
	v14 =	vtrunc.f32 v3  }
0x1b9: {  	v12 =	vld [tilespmem:s0+$0x10];
	v16 =	vtrunc.f32 v4;
	v6 =	vcvt.f32.s32 v6  }
0x1ba: {  	v17 =	vtrunc.f32 v5;
	v26 =	vtrunc.f32 v15  }
0x1bb: {  	v8 =	vcvt.f32.s32 v8;
	v10 =	vcvt.s32.f32 v6  }
0x1bc: {  	v11 =	vld [tilespmem:s0+$0x4E60];
	v18 =	vtrunc.f32 v7;
	v26 =	vcvt.f32.s32 v26  }
0x1bd: {  	v13 =	vcvt.s32.f32 v8;
	v6 =	vshll.u32 v6, $0x8;
	v1 =	vsub.f32 v1, v10;
	v10 =	vld [tilespmem:s0+$0x20]  }
0x1be: {  	v20 =	vadd.s32 v8, v6;
	v6 =	vmul.f32 $2.550000000e+02, v12;
	v8 =	vand.u32 $0x7F, v8  }
0x1bf: {  	v2 =	vsub.f32 v2, v13;
	v21 =	vand.u32 $0xFFFFFF80, v20;
	v13 =	vsub.f32 $1.000000000e+00, v1  }
0x1c0: {  	v8 =	vor.u32 v8, v21;
	v21 =	vcvt.f32.s32 v18;
	v18 =	vtrunc.f32 v6  }
0x1c1: {  	v19 =	vsub.f32 $1.000000000e+00, v2;
	v1 =	vmul.f32 v1, v11;
	v13 =	vmul.f32 v13, v11  }
0x1c2: {  	v31 =	vcvt.f32.s32 v18;
	v10 =	vmul.f32 $2.550000000e+02, v10  }
0x1c3: {  	v12 =	vmul.f32 v13, v19;
	v25 =	vmul.f32 v13, v2  }
0x1c4: {  	v8 =	vadd.s32 $0x100, v8;
	v19 =	vmul.f32 v1, v19;
	v13 =	vcvt.f32.s32 v14  }
0x1c5: {  	v11 =	vadd.s32 $0x1, v20;
	v14 =	vmul.f32 v1, v2;
	v1 =	vcvt.f32.s32 v16  }
0x1c6: {  	v2 =	vcvt.f32.s32 v17;
	v16 =	vtrunc.f32 v9;
	v17 =	vadd.s32 $0x101, v20  }
0x1c7: {  	v30 =	vld [tilespmem:s0+$0x4E20];
	v23 =	vtrunc.f32 v10;
	v28 =	vcvt.f32.s32 v16;
	v22 =	vshll.u32 v13, $0x8  }
0x1c8: {  	v33 =	vld [tilespmem:s0+$0x4E30];
	v13 =	vcvt.s32.f32 v13;
	v24 =	vshll.u32 v1, $0x8;
	v1 =	vcvt.s32.f32 v1  }
0x1c9: {  	v35 =	vld [tilespmem:s0+$0x4E40];
	v27 =	vcvt.s32.f32 v2;
	v34 =	vcvt.f32.s32 v23;
	v2 =	vshll.u32 v2, $0x8  }
0x1ca: {  	[tilespmem:v20+s2+$0x0] =	vst.idx.add.f32.msk $0xffff, v12;
	v29 =	vsub.f32 v3, v13;
	v3 =	vcvt.s32.f32 v21;
	v32 =	vsub.f32 v4, v1  }
0x1cb: {  	[tilespmem:v11+s2+$0x0] =	vst.idx.add.f32.msk $0xffff, v25;
	v27 =	vsub.f32 v5, v27;
	v1 =	vcvt.s32.f32 v28;
	v5 =	vcvt.s32.f32 v34  }
0x1cc: {  	v2 =	vadd.s32 v34, v2;
	[tilespmem:v8+s2+$0x0] =	vst.idx.add.f32.msk $0xffff, v19;
	v8 =	vand.u32 $0x7F, v28;
	v36 =	vsub.f32 v7, v3  }
0x1cd: {  	[tilespmem:v17+s2+$0x0] =	vst.idx.add.f32.msk $0xffff, v14;
	v14 =	vand.u32 $0x7F, v31;
	v4 =	vsub.f32 $1.000000000e+00, v29;
	v18 =	vsub.f32 v9, v1  }
0x1ce: {  	v37 =	vld [tilespmem:s0+$0x4E50];
	v3 =	vcvt.s32.f32 v31;
	v1 =	vsub.f32 $1.000000000e+00, v32;
	v13 =	vsub.f32 v10, v5  }
0x1cf: {  	v5 =	vsub.f32 $1.000000000e+00, v27;
	v10 =	vshll.u32 v21, $0x8;
	v23 =	vmul.f32 v29, v30  }
0x1d0: {  	v21 =	vmul.f32 v32, v33;
	v16 =	vsub.f32 v6, v3;
	v3 =	vcvt.s32.f32 v26  }
0x1d1: {  	v38 =	vmul.f32 v4, v30;
	v9 =	vsub.f32 $1.000000000e+00, v36;
	v39 =	vmul.f32 v1, v33  }
0x1d2: {  	v7 =	vmul.f32 v5, v35;
	v4 =	vadd.s32 v28, v22;
	v1 =	vadd.s32 v26, v10  }
0x1d3: {  	v10 =	vmul.f32 v27, v35;
	v11 =	vmul.f32 v36, v37;
	v27 =	vand.u32 $0xFFFFFF80, v2  }
0x1d4: {  	v28 =	vand.u32 $0x7F, v34;
	v26 =	vand.u32 $0x7F, v26;
	v12 =	vand.u32 $0xFFFFFF80, v4  }
0x1d5: {  	v25 =	vand.u32 $0xFFFFFF80, v1;
	v6 =	vsub.f32 v15, v3;
	v3 =	vadd.s32 v31, v24  }
0x1d6: {  	v5 =	vmul.f32 v9, v37;
	v24 =	vsub.f32 $1.000000000e+00, v18;
	v22 =	vsub.f32 $1.000000000e+00, v16  }
0x1d7: {  	v15 =	vsub.f32 $1.000000000e+00, v13;
	v19 =	vmul.f32 v38, v18;
	v30 =	vor.u32 v8, v12  }
0x1d8: {  	v8 =	vmul.f32 v39, v16;
	v29 =	vand.u32 $0xFFFFFF80, v3;
	v9 =	vsub.f32 $1.000000000e+00, v6  }
0x1d9: {  	s31 =	simm.s32 $0x0;
	s0 =	simm.s32 $0x175D0;
	v20 =	vmul.f32 v38, v24;
	v17 =	vmul.f32 v39, v22;
	v29 =	vor.u32 v14, v29  }
.LBB2_10:
0x1da: {  	v31 =	vld [tilespmem:s0+$0x2750];
	v14 =	vmul.f32 v7, v15;
	v12 =	vmul.f32 v7, v13;
	v27 =	vor.u32 v28, v27  }
0x1db: {  	v7 =	vmul.f32 v5, v9;
	v5 =	vmul.f32 v5, v6;
	v25 =	vor.u32 v26, v25;
	v28 =	vld [tilespmem:s0+$0x2710]  }
0x1dc: {  	v24 =	vmul.f32 v23, v24;
	v30 =	vadd.s32 $0x100, v30;
	v18 =	vmul.f32 v23, v18;
	v26 =	vld [tilespmem:s0+$0x40]  }
0x1dd: {  	s31 =	sadd.s32 $0x5, s31;
	v22 =	vmul.f32 v21, v22;
	v29 =	vadd.s32 $0x100, v29;
	v16 =	vmul.f32 v21, v16;
	v23 =	vld [tilespmem:s0+$0x2720]  }
0x1de: {  	v32 =	vmul.f32 v10, v15;
	v13 =	vmul.f32 v10, v13;
	p0 =	slt.u32 s31, $0x26C;
	v27 =	vadd.s32 $0x100, v27;
	v21 =	vld [tilespmem:s0+$0x2730]  }
0x1df: {  	v9 =	vmul.f32 v11, v9;
	v10 =	vadd.s32 $0x100, v25;
	v33 =	vld [tilespmem:s0+$0x2740];
	v31 =	vmul.f32 $2.550000000e+02, v31  }
0x1e0: {  	v34 =	vadd.s32 $0x1, v4;
	v11 =	vmul.f32 v11, v6;
	v25 =	vmul.f32 $2.550000000e+02, v28;
	v28 =	vld [tilespmem:s0+$0x10]  }
0x1e1: {  	v35 =	vadd.s32 $0x101, v4;
	v6 =	vld [tilespmem:s0+$0x20];
	v26 =	vmul.f32 $2.550000000e+02, v26;
	v15 =	vtrunc.f32 v31  }
0x1e2: {  	v38 =	vadd.s32 $0x1, v3;
	v23 =	vmul.f32 $2.550000000e+02, v23;
	v36 =	vld [tilespmem:s0+$0x30];
	v37 =	vcvt.f32.s32 v15  }
0x1e3: {  	v41 =	vadd.s32 $0x101, v3;
	v39 =	vld [tilespmem:s0+$0x0];
	v21 =	vmul.f32 $2.550000000e+02, v21;
	v40 =	vtrunc.f32 v26  }
0x1e4: {  	v43 =	vadd.s32 $0x1, v2;
	v15 =	vld [tilespmem:s0+$0x4E20];
	v40 =	vcvt.f32.s32 v40;
	v42 =	vcvt.s32.f32 v37  }
0x1e5: {  	v46 =	vadd.s32 $0x101, v2;
	v44 =	vtrunc.f32 v25;
	v33 =	vmul.f32 $2.550000000e+02, v33;
	v45 =	vld [tilespmem:s0+$0x4E60]  }
0x1e6: {  	v48 =	vtrunc.f32 v23;
	v47 =	vld [tilespmem:s0+$0x4E30];
	v49 =	vcvt.s32.f32 v40;
	v31 =	vsub.f32 v31, v42  }
0x1e7: {  	v37 =	vshll.u32 v37, $0x8;
	v50 =	vtrunc.f32 v21;
	v51 =	vtrunc.f32 v33;
	v42 =	vld [tilespmem:s0+$0x4E40]  }
0x1e8: {  	v37 =	vadd.s32 v40, v37;
	v52 =	vld [tilespmem:s0+$0x4E50];
	v26 =	vsub.f32 v26, v49;
	v49 =	vsub.f32 $1.000000000e+00, v31  }
0x1e9: {  	v40 =	vand.u32 $0x7F, v40;
	v53 =	vadd.s32 $0x1, v37;
	v54 =	vand.u32 $0xFFFFFF80, v37;
	[tilespmem:v4+s2+$0x0] =	vst.idx.add.f32.msk $0xffff, v20  }
0x1ea: {  	v40 =	vor.u32 v40, v54;
	v4 =	vsub.f32 $1.000000000e+00, v26;
	v20 =	vmul.f32 v49, v45;
	[tilespmem:v34+s2+$0x0] =	vst.idx.add.f32.msk $0xffff, v19  }
0x1eb: {  	v28 =	vmul.f32 $2.550000000e+02, v28;
	v19 =	vmul.f32 $2.550000000e+02, v39;
	v34 =	vadd.s32 $0x100, v40;
	[tilespmem:v30+s2+$0x0] =	vst.idx.add.f32.msk $0xffff, v24  }
0x1ec: {  	v24 =	vmul.f32 v31, v45;
	v31 =	vadd.s32 $0x101, v37;
	v30 =	vmul.f32 v20, v4;
	[tilespmem:v35+s2+$0x0] =	vst.idx.add.f32.msk $0xffff, v18  }
0x1ed: {  	v6 =	vmul.f32 $2.550000000e+02, v6;
	v18 =	vmul.f32 v20, v26;
	[tilespmem:v3+s2+$0x0] =	vst.idx.add.f32.msk $0xffff, v17;
	v3 =	vadd.s32 $0x1, v1  }
0x1ee: {  	v20 =	vadd.s32 $0x101, v1;
	v17 =	vmul.f32 $2.550000000e+02, v36;
	v4 =	vmul.f32 v24, v4;
	[tilespmem:v37+s2+$0x0] =	vst.idx.add.f32.msk $0xffff, v30  }
0x1ef: {  	v30 =	vcvt.f32.s32 v44;
	[tilespmem:v53+s2+$0x0] =	vst.idx.add.f32.msk $0xffff, v18;
	v18 =	vmul.f32 v24, v26  }
0x1f0: {  	v24 =	vcvt.f32.s32 v48;
	v26 =	vcvt.f32.s32 v50;
	[tilespmem:v34+s2+$0x0] =	vst.idx.add.f32.msk $0xffff, v4  }
0x1f1: {  	v35 =	vcvt.f32.s32 v51;
	v4 =	vtrunc.f32 v19;
	v34 =	vshll.u32 v30, $0x8;
	[tilespmem:v31+s2+$0x0] =	vst.idx.add.f32.msk $0xffff, v18  }
0x1f2: {  	v36 =	vtrunc.f32 v6;
	v18 =	vtrunc.f32 v28;
	v31 =	vshll.u32 v24, $0x8;
	[tilespmem:v38+s2+$0x0] =	vst.idx.add.f32.msk $0xffff, v8  }
0x1f3: {  	v37 =	vtrunc.f32 v17;
	v8 =	vcvt.s32.f32 v30;
	v30 =	vshll.u32 v26, $0x8;
	[tilespmem:v29+s2+$0x0] =	vst.idx.add.f32.msk $0xffff, v22  }
0x1f4: {  	v22 =	vcvt.s32.f32 v24;
	v24 =	vcvt.s32.f32 v26;
	v26 =	vshll.u32 v35, $0x8;
	[tilespmem:v41+s2+$0x0] =	vst.idx.add.f32.msk $0xffff, v16  }
0x1f5: {  	v29 =	vcvt.f32.s32 v4;
	v4 =	vcvt.s32.f32 v35;
	v8 =	vsub.f32 v25, v8;
	[tilespmem:v2+s2+$0x0] =	vst.idx.add.f32.msk $0xffff, v14  }
0x1f6: {  	v35 =	vcvt.f32.s32 v36;
	v14 =	vcvt.f32.s32 v18;
	v25 =	vsub.f32 v23, v22;
	[tilespmem:v43+s2+$0x0] =	vst.idx.add.f32.msk $0xffff, v12  }
0x1f7: {  	v36 =	vcvt.f32.s32 v37;
	v33 =	vsub.f32 v33, v4;
	v12 =	vsub.f32 v21, v24;
	[tilespmem:v27+s2+$0x0] =	vst.idx.add.f32.msk $0xffff, v32  }
0x1f8: {  	v2 =	vcvt.s32.f32 v29;
	v4 =	vsub.f32 $1.000000000e+00, v8;
	v16 =	vcvt.s32.f32 v14;
	[tilespmem:v46+s2+$0x0] =	vst.idx.add.f32.msk $0xffff, v13  }
0x1f9: {  	v22 =	vcvt.s32.f32 v36;
	v21 =	vcvt.s32.f32 v35;
	v13 =	vsub.f32 $1.000000000e+00, v25;
	[tilespmem:v1+s2+$0x0] =	vst.idx.add.f32.msk $0xffff, v7  }
0x1fa: {  	v23 =	vsub.f32 $1.000000000e+00, v33;
	v32 =	vmul.f32 v4, v15;
	v1 =	vsub.f32 $1.000000000e+00, v12;
	[tilespmem:v3+s2+$0x0] =	vst.idx.add.f32.msk $0xffff, v5  }
0x1fb: {  	v18 =	vsub.f32 v19, v2;
	v16 =	vsub.f32 v28, v16;
	v37 =	vmul.f32 v13, v47  }
0x1fc: {  	v13 =	vsub.f32 v6, v21;
	v6 =	vsub.f32 v17, v22;
	v7 =	vmul.f32 v1, v42  }
0x1fd: {  	v4 =	vadd.s32 v29, v34;
	v3 =	vadd.s32 v14, v31;
	v5 =	vmul.f32 v23, v52  }
0x1fe: {  	v2 =	vadd.s32 v35, v30;
	v24 =	vsub.f32 $1.000000000e+00, v18;
	v1 =	vadd.s32 v36, v26;
	[tilespmem:v10+s2+$0x0] =	vst.idx.add.f32.msk $0xffff, v9  }
0x1ff: {  	v23 =	vmul.f32 v8, v15;
	v21 =	vmul.f32 v25, v47;
	v22 =	vsub.f32 $1.000000000e+00, v16;
	[tilespmem:v20+s2+$0x0] =	vst.idx.add.f32.msk $0xffff, v11  }
0x200: {  	v15 =	vsub.f32 $1.000000000e+00, v13;
	v10 =	vmul.f32 v12, v42;
	v9 =	vsub.f32 $1.000000000e+00, v6  }
.Ltmp4:
0x201: {  	v8 =	vand.u32 $0xFFFFFF80, v4;
	v12 =	vand.u32 $0xFFFFFF80, v3;
	v11 =	vmul.f32 v33, v52;
	(pc) =	sbr.rel @p0 .LBB2_10-.Ltmp4, $4  }
0x202: {  	v27 =	vand.u32 $0xFFFFFF80, v2;
	v17 =	vand.u32 $0x7F, v29;
	v25 =	vand.u32 $0xFFFFFF80, v1  }
0x203: {  	v28 =	vand.u32 $0x7F, v35;
	v14 =	vand.u32 $0x7F, v14;
	v26 =	vand.u32 $0x7F, v36  }
0x204: {  	v19 =	vmul.f32 v32, v18;
	v30 =	vor.u32 v17, v8;
	v20 =	vmul.f32 v32, v24  }
0x205: {  	s0 =	sadd.s32 $0x50, s0;
	v8 =	vmul.f32 v37, v16;
	v17 =	vmul.f32 v37, v22;
	v29 =	vor.u32 v14, v12  }
0x206: {  	_ = 	snop  }
0x207: {  	v12 =	vadd.s32 $0x1, v4  }
0x208: {  	v31 =	vadd.s32 $0x1, v3  }
0x209: {  	v14 =	vadd.s32 $0x100, v30  }
0x20a: {  	v30 =	vadd.s32 $0x101, v4;
	[tilespmem:v4+s2+$0x0] =	vst.idx.add.f32.msk $0xffff, v20  }
0x20b: {  	[tilespmem:v3+s2+$0x0] =	vst.idx.add.f32.msk $0xffff, v17  }
0x20c: {  	v24 =	vmul.f32 v23, v24;
	v4 =	vmul.f32 v23, v18;
	v18 =	vadd.s32 $0x100, v29;
	[tilespmem:v12+s2+$0x0] =	vst.idx.add.f32.msk $0xffff, v19  }
0x20d: {  	v12 =	vadd.s32 $0x101, v3;
	[tilespmem:v31+s2+$0x0] =	vst.idx.add.f32.msk $0xffff, v8  }
0x20e: {  	v19 =	vadd.s32 $0x1, v2;
	v8 =	vmul.f32 v7, v15;
	[tilespmem:v14+s2+$0x0] =	vst.idx.add.f32.msk $0xffff, v24  }
0x20f: {  	v14 =	vmul.f32 v21, v22;
	[tilespmem:v30+s2+$0x0] =	vst.idx.add.f32.msk $0xffff, v4  }
0x210: {  	v3 =	vmul.f32 v21, v16;
	v4 =	vor.u32 v28, v27;
	[tilespmem:v2+s2+$0x0] =	vst.idx.add.f32.msk $0xffff, v8  }
0x211: {  	v7 =	vmul.f32 v7, v13;
	v4 =	vadd.s32 $0x100, v4;
	[tilespmem:v18+s2+$0x0] =	vst.idx.add.f32.msk $0xffff, v14  }
0x212: {  	v16 =	vadd.s32 $0x101, v2;
	[tilespmem:v12+s2+$0x0] =	vst.idx.add.f32.msk $0xffff, v3  }
0x213: {  	v14 =	vadd.s32 $0x1, v1;
	v3 =	vor.u32 v26, v25;
	[tilespmem:v19+s2+$0x0] =	vst.idx.add.f32.msk $0xffff, v7;
	v7 =	vmul.f32 v5, v9  }
0x214: {  	v12 =	vmul.f32 v10, v15;
	v3 =	vadd.s32 $0x100, v3  }
0x215: {  	v2 =	vmul.f32 v10, v13;
	v8 =	vadd.s32 $0x101, v1;
	[tilespmem:v1+s2+$0x0] =	vst.idx.add.f32.msk $0xffff, v7  }
0x216: {  	[tilespmem:v4+s2+$0x0] =	vst.idx.add.f32.msk $0xffff, v12;
	v4 =	vmul.f32 v5, v6  }
0x217: {  	[tilespmem:v16+s2+$0x0] =	vst.idx.add.f32.msk $0xffff, v2;
	v2 =	vmul.f32 v11, v9  }
0x218: {  	v1 =	vmul.f32 v11, v6;
	[tilespmem:v14+s2+$0x0] =	vst.idx.add.f32.msk $0xffff, v4  }
0x219: {  	[tilespmem:v3+s2+$0x0] =	vst.idx.add.f32.msk $0xffff, v2  }
0x21a: {  	[tilespmem:v8+s2+$0x0] =	vst.idx.add.f32.msk $0xffff, v1  }
0x21b: {  	_ =	swait.ge [sflag:s22], $0x2710  }
0x21c: {  	[sflag:s22] =	ssyncset.done $0x0  }
0x21d: {  	[sflag:s22] =	ssyncadd.s32 $0xFFFFD8F0  }
0x21e: {  	_ =	swait.ge [sflag:s22], $0x2710  }
0x21f: {  	[sflag:s22] =	ssyncset.done $0x0  }
0x220: {  	[sflag:s22] =	ssyncadd.s32 $0xFFFFD8F0  }
0x221: {  	_ =	swait.ge [sflag:s22], $0x2710  }
0x222: {  	[sflag:s22] =	ssyncset.done $0x0  }
0x223: {  	s0 =	simm.s32 $0x10000;
	[sflag:s22] =	ssyncadd.s32 $0xFFFFD8F0  }
0x224: {  	v1 =	vld [tilespmem:s0+$0x2750]  }
0x225: {  	v2 =	vld [tilespmem:s0+$0x40]  }
0x226: {  	v3 =	vld [tilespmem:s0+$0x2710]  }
0x227: {  	v4 =	vld [tilespmem:s0+$0x2720]  }
0x228: {  	v5 =	vld [tilespmem:s0+$0x2730]  }
0x229: {  	v7 =	vld [tilespmem:s0+$0x2740]  }
0x22a: {  	v9 =	vld [tilespmem:s0+$0x0]  }
0x22b: {  	v15 =	vld [tilespmem:s0+$0x30]  }
0x22c: {  	v1 =	vmul.f32 $2.550000000e+02, v1  }
0x22d: {  	v2 =	vmul.f32 $2.550000000e+02, v2;
	v3 =	vmul.f32 $2.550000000e+02, v3  }
0x22e: {  	v4 =	vmul.f32 $2.550000000e+02, v4;
	v5 =	vmul.f32 $2.550000000e+02, v5  }
0x22f: {  	v7 =	vmul.f32 $2.550000000e+02, v7;
	v9 =	vmul.f32 $2.550000000e+02, v9  }
0x230: {  	v15 =	vmul.f32 $2.550000000e+02, v15;
	v6 =	vtrunc.f32 v1  }
0x231: {  	v8 =	vtrunc.f32 v2;
	v14 =	vtrunc.f32 v3  }
0x232: {  	v12 =	vld [tilespmem:s0+$0x10];
	v16 =	vtrunc.f32 v4;
	v6 =	vcvt.f32.s32 v6  }
0x233: {  	v17 =	vtrunc.f32 v5;
	v26 =	vtrunc.f32 v15  }
0x234: {  	v8 =	vcvt.f32.s32 v8;
	v10 =	vcvt.s32.f32 v6  }
0x235: {  	v11 =	vld [tilespmem:s0+$0x4E60];
	v18 =	vtrunc.f32 v7;
	v26 =	vcvt.f32.s32 v26  }
0x236: {  	v13 =	vcvt.s32.f32 v8;
	v6 =	vshll.u32 v6, $0x8;
	v1 =	vsub.f32 v1, v10;
	v10 =	vld [tilespmem:s0+$0x20]  }
0x237: {  	v20 =	vadd.s32 v8, v6;
	v6 =	vmul.f32 $2.550000000e+02, v12;
	v8 =	vand.u32 $0x7F, v8  }
0x238: {  	v2 =	vsub.f32 v2, v13;
	v21 =	vand.u32 $0xFFFFFF80, v20;
	v13 =	vsub.f32 $1.000000000e+00, v1  }
0x239: {  	v8 =	vor.u32 v8, v21;
	v21 =	vcvt.f32.s32 v18;
	v18 =	vtrunc.f32 v6  }
0x23a: {  	v19 =	vsub.f32 $1.000000000e+00, v2;
	v1 =	vmul.f32 v1, v11;
	v13 =	vmul.f32 v13, v11  }
0x23b: {  	v31 =	vcvt.f32.s32 v18;
	v10 =	vmul.f32 $2.550000000e+02, v10  }
0x23c: {  	v12 =	vmul.f32 v13, v19;
	v25 =	vmul.f32 v13, v2  }
0x23d: {  	v8 =	vadd.s32 $0x100, v8;
	v19 =	vmul.f32 v1, v19;
	v13 =	vcvt.f32.s32 v14  }
0x23e: {  	v11 =	vadd.s32 $0x1, v20;
	v14 =	vmul.f32 v1, v2;
	v1 =	vcvt.f32.s32 v16  }
0x23f: {  	v2 =	vcvt.f32.s32 v17;
	v16 =	vtrunc.f32 v9;
	v17 =	vadd.s32 $0x101, v20  }
0x240: {  	v30 =	vld [tilespmem:s0+$0x4E20];
	v23 =	vtrunc.f32 v10;
	v28 =	vcvt.f32.s32 v16;
	v22 =	vshll.u32 v13, $0x8  }
0x241: {  	v33 =	vld [tilespmem:s0+$0x4E30];
	v13 =	vcvt.s32.f32 v13;
	v24 =	vshll.u32 v1, $0x8;
	v1 =	vcvt.s32.f32 v1  }
0x242: {  	v35 =	vld [tilespmem:s0+$0x4E40];
	v27 =	vcvt.s32.f32 v2;
	v34 =	vcvt.f32.s32 v23;
	v2 =	vshll.u32 v2, $0x8  }
0x243: {  	[tilespmem:v20+s2+$0x0] =	vst.idx.add.f32.msk $0xffff, v12;
	v29 =	vsub.f32 v3, v13;
	v3 =	vcvt.s32.f32 v21;
	v32 =	vsub.f32 v4, v1  }
0x244: {  	[tilespmem:v11+s2+$0x0] =	vst.idx.add.f32.msk $0xffff, v25;
	v27 =	vsub.f32 v5, v27;
	v1 =	vcvt.s32.f32 v28;
	v5 =	vcvt.s32.f32 v34  }
0x245: {  	v2 =	vadd.s32 v34, v2;
	[tilespmem:v8+s2+$0x0] =	vst.idx.add.f32.msk $0xffff, v19;
	v8 =	vand.u32 $0x7F, v28;
	v36 =	vsub.f32 v7, v3  }
0x246: {  	[tilespmem:v17+s2+$0x0] =	vst.idx.add.f32.msk $0xffff, v14;
	v14 =	vand.u32 $0x7F, v31;
	v4 =	vsub.f32 $1.000000000e+00, v29;
	v18 =	vsub.f32 v9, v1  }
0x247: {  	v37 =	vld [tilespmem:s0+$0x4E50];
	v3 =	vcvt.s32.f32 v31;
	v1 =	vsub.f32 $1.000000000e+00, v32;
	v13 =	vsub.f32 v10, v5  }
0x248: {  	v5 =	vsub.f32 $1.000000000e+00, v27;
	v10 =	vshll.u32 v21, $0x8;
	v23 =	vmul.f32 v29, v30  }
0x249: {  	v21 =	vmul.f32 v32, v33;
	v16 =	vsub.f32 v6, v3;
	v3 =	vcvt.s32.f32 v26  }
0x24a: {  	v38 =	vmul.f32 v4, v30;
	v9 =	vsub.f32 $1.000000000e+00, v36;
	v39 =	vmul.f32 v1, v33  }
0x24b: {  	v7 =	vmul.f32 v5, v35;
	v4 =	vadd.s32 v28, v22;
	v1 =	vadd.s32 v26, v10  }
0x24c: {  	v10 =	vmul.f32 v27, v35;
	v11 =	vmul.f32 v36, v37;
	v27 =	vand.u32 $0xFFFFFF80, v2  }
0x24d: {  	v28 =	vand.u32 $0x7F, v34;
	v26 =	vand.u32 $0x7F, v26;
	v12 =	vand.u32 $0xFFFFFF80, v4  }
0x24e: {  	v25 =	vand.u32 $0xFFFFFF80, v1;
	v6 =	vsub.f32 v15, v3;
	v3 =	vadd.s32 v31, v24  }
0x24f: {  	v5 =	vmul.f32 v9, v37;
	v24 =	vsub.f32 $1.000000000e+00, v18;
	v22 =	vsub.f32 $1.000000000e+00, v16  }
0x250: {  	v15 =	vsub.f32 $1.000000000e+00, v13;
	v19 =	vmul.f32 v38, v18;
	v30 =	vor.u32 v8, v12  }
0x251: {  	v8 =	vmul.f32 v39, v16;
	v29 =	vand.u32 $0xFFFFFF80, v3;
	v9 =	vsub.f32 $1.000000000e+00, v6  }
0x252: {  	s31 =	simm.s32 $0x0;
	s0 =	simm.s32 $0x10050;
	v20 =	vmul.f32 v38, v24;
	v17 =	vmul.f32 v39, v22;
	v29 =	vor.u32 v14, v29  }
.LBB2_12:
0x253: {  	v31 =	vld [tilespmem:s0+$0x2750];
	v14 =	vmul.f32 v7, v15;
	v12 =	vmul.f32 v7, v13;
	v27 =	vor.u32 v28, v27  }
0x254: {  	v7 =	vmul.f32 v5, v9;
	v5 =	vmul.f32 v5, v6;
	v25 =	vor.u32 v26, v25;
	v28 =	vld [tilespmem:s0+$0x2710]  }
0x255: {  	v24 =	vmul.f32 v23, v24;
	v30 =	vadd.s32 $0x100, v30;
	v18 =	vmul.f32 v23, v18;
	v26 =	vld [tilespmem:s0+$0x40]  }
0x256: {  	s31 =	sadd.s32 $0x5, s31;
	v22 =	vmul.f32 v21, v22;
	v29 =	vadd.s32 $0x100, v29;
	v16 =	vmul.f32 v21, v16;
	v23 =	vld [tilespmem:s0+$0x2720]  }
0x257: {  	v32 =	vmul.f32 v10, v15;
	v13 =	vmul.f32 v10, v13;
	p0 =	slt.u32 s31, $0x26C;
	v27 =	vadd.s32 $0x100, v27;
	v21 =	vld [tilespmem:s0+$0x2730]  }
0x258: {  	v9 =	vmul.f32 v11, v9;
	v10 =	vadd.s32 $0x100, v25;
	v33 =	vld [tilespmem:s0+$0x2740];
	v31 =	vmul.f32 $2.550000000e+02, v31  }
0x259: {  	v34 =	vadd.s32 $0x1, v4;
	v11 =	vmul.f32 v11, v6;
	v25 =	vmul.f32 $2.550000000e+02, v28;
	v28 =	vld [tilespmem:s0+$0x10]  }
0x25a: {  	v35 =	vadd.s32 $0x101, v4;
	v6 =	vld [tilespmem:s0+$0x20];
	v26 =	vmul.f32 $2.550000000e+02, v26;
	v15 =	vtrunc.f32 v31  }
0x25b: {  	v38 =	vadd.s32 $0x1, v3;
	v23 =	vmul.f32 $2.550000000e+02, v23;
	v36 =	vld [tilespmem:s0+$0x30];
	v37 =	vcvt.f32.s32 v15  }
0x25c: {  	v41 =	vadd.s32 $0x101, v3;
	v39 =	vld [tilespmem:s0+$0x0];
	v21 =	vmul.f32 $2.550000000e+02, v21;
	v40 =	vtrunc.f32 v26  }
0x25d: {  	v43 =	vadd.s32 $0x1, v2;
	v15 =	vld [tilespmem:s0+$0x4E20];
	v40 =	vcvt.f32.s32 v40;
	v42 =	vcvt.s32.f32 v37  }
0x25e: {  	v46 =	vadd.s32 $0x101, v2;
	v44 =	vtrunc.f32 v25;
	v33 =	vmul.f32 $2.550000000e+02, v33;
	v45 =	vld [tilespmem:s0+$0x4E60]  }
0x25f: {  	v48 =	vtrunc.f32 v23;
	v47 =	vld [tilespmem:s0+$0x4E30];
	v49 =	vcvt.s32.f32 v40;
	v31 =	vsub.f32 v31, v42  }
0x260: {  	v37 =	vshll.u32 v37, $0x8;
	v50 =	vtrunc.f32 v21;
	v51 =	vtrunc.f32 v33;
	v42 =	vld [tilespmem:s0+$0x4E40]  }
0x261: {  	v37 =	vadd.s32 v40, v37;
	v52 =	vld [tilespmem:s0+$0x4E50];
	v26 =	vsub.f32 v26, v49;
	v49 =	vsub.f32 $1.000000000e+00, v31  }
0x262: {  	v40 =	vand.u32 $0x7F, v40;
	v53 =	vadd.s32 $0x1, v37;
	v54 =	vand.u32 $0xFFFFFF80, v37;
	[tilespmem:v4+s2+$0x0] =	vst.idx.add.f32.msk $0xffff, v20  }
0x263: {  	v40 =	vor.u32 v40, v54;
	v4 =	vsub.f32 $1.000000000e+00, v26;
	v20 =	vmul.f32 v49, v45;
	[tilespmem:v34+s2+$0x0] =	vst.idx.add.f32.msk $0xffff, v19  }
0x264: {  	v28 =	vmul.f32 $2.550000000e+02, v28;
	v19 =	vmul.f32 $2.550000000e+02, v39;
	v34 =	vadd.s32 $0x100, v40;
	[tilespmem:v30+s2+$0x0] =	vst.idx.add.f32.msk $0xffff, v24  }
0x265: {  	v24 =	vmul.f32 v31, v45;
	v31 =	vadd.s32 $0x101, v37;
	v30 =	vmul.f32 v20, v4;
	[tilespmem:v35+s2+$0x0] =	vst.idx.add.f32.msk $0xffff, v18  }
0x266: {  	v6 =	vmul.f32 $2.550000000e+02, v6;
	v18 =	vmul.f32 v20, v26;
	[tilespmem:v3+s2+$0x0] =	vst.idx.add.f32.msk $0xffff, v17;
	v3 =	vadd.s32 $0x1, v1  }
0x267: {  	v20 =	vadd.s32 $0x101, v1;
	v17 =	vmul.f32 $2.550000000e+02, v36;
	v4 =	vmul.f32 v24, v4;
	[tilespmem:v37+s2+$0x0] =	vst.idx.add.f32.msk $0xffff, v30  }
0x268: {  	v30 =	vcvt.f32.s32 v44;
	[tilespmem:v53+s2+$0x0] =	vst.idx.add.f32.msk $0xffff, v18;
	v18 =	vmul.f32 v24, v26  }
0x269: {  	v24 =	vcvt.f32.s32 v48;
	v26 =	vcvt.f32.s32 v50;
	[tilespmem:v34+s2+$0x0] =	vst.idx.add.f32.msk $0xffff, v4  }
0x26a: {  	v35 =	vcvt.f32.s32 v51;
	v4 =	vtrunc.f32 v19;
	v34 =	vshll.u32 v30, $0x8;
	[tilespmem:v31+s2+$0x0] =	vst.idx.add.f32.msk $0xffff, v18  }
0x26b: {  	v36 =	vtrunc.f32 v6;
	v18 =	vtrunc.f32 v28;
	v31 =	vshll.u32 v24, $0x8;
	[tilespmem:v38+s2+$0x0] =	vst.idx.add.f32.msk $0xffff, v8  }
0x26c: {  	v37 =	vtrunc.f32 v17;
	v8 =	vcvt.s32.f32 v30;
	v30 =	vshll.u32 v26, $0x8;
	[tilespmem:v29+s2+$0x0] =	vst.idx.add.f32.msk $0xffff, v22  }
0x26d: {  	v22 =	vcvt.s32.f32 v24;
	v24 =	vcvt.s32.f32 v26;
	v26 =	vshll.u32 v35, $0x8;
	[tilespmem:v41+s2+$0x0] =	vst.idx.add.f32.msk $0xffff, v16  }
0x26e: {  	v29 =	vcvt.f32.s32 v4;
	v4 =	vcvt.s32.f32 v35;
	v8 =	vsub.f32 v25, v8;
	[tilespmem:v2+s2+$0x0] =	vst.idx.add.f32.msk $0xffff, v14  }
0x26f: {  	v35 =	vcvt.f32.s32 v36;
	v14 =	vcvt.f32.s32 v18;
	v25 =	vsub.f32 v23, v22;
	[tilespmem:v43+s2+$0x0] =	vst.idx.add.f32.msk $0xffff, v12  }
0x270: {  	v36 =	vcvt.f32.s32 v37;
	v33 =	vsub.f32 v33, v4;
	v12 =	vsub.f32 v21, v24;
	[tilespmem:v27+s2+$0x0] =	vst.idx.add.f32.msk $0xffff, v32  }
0x271: {  	v2 =	vcvt.s32.f32 v29;
	v4 =	vsub.f32 $1.000000000e+00, v8;
	v16 =	vcvt.s32.f32 v14;
	[tilespmem:v46+s2+$0x0] =	vst.idx.add.f32.msk $0xffff, v13  }
0x272: {  	v22 =	vcvt.s32.f32 v36;
	v21 =	vcvt.s32.f32 v35;
	v13 =	vsub.f32 $1.000000000e+00, v25;
	[tilespmem:v1+s2+$0x0] =	vst.idx.add.f32.msk $0xffff, v7  }
0x273: {  	v23 =	vsub.f32 $1.000000000e+00, v33;
	v32 =	vmul.f32 v4, v15;
	v1 =	vsub.f32 $1.000000000e+00, v12;
	[tilespmem:v3+s2+$0x0] =	vst.idx.add.f32.msk $0xffff, v5  }
0x274: {  	v18 =	vsub.f32 v19, v2;
	v16 =	vsub.f32 v28, v16;
	v37 =	vmul.f32 v13, v47  }
0x275: {  	v13 =	vsub.f32 v6, v21;
	v6 =	vsub.f32 v17, v22;
	v7 =	vmul.f32 v1, v42  }
0x276: {  	v4 =	vadd.s32 v29, v34;
	v3 =	vadd.s32 v14, v31;
	v5 =	vmul.f32 v23, v52  }
0x277: {  	v2 =	vadd.s32 v35, v30;
	v24 =	vsub.f32 $1.000000000e+00, v18;
	v1 =	vadd.s32 v36, v26;
	[tilespmem:v10+s2+$0x0] =	vst.idx.add.f32.msk $0xffff, v9  }
0x278: {  	v23 =	vmul.f32 v8, v15;
	v21 =	vmul.f32 v25, v47;
	v22 =	vsub.f32 $1.000000000e+00, v16;
	[tilespmem:v20+s2+$0x0] =	vst.idx.add.f32.msk $0xffff, v11  }
0x279: {  	v15 =	vsub.f32 $1.000000000e+00, v13;
	v10 =	vmul.f32 v12, v42;
	v9 =	vsub.f32 $1.000000000e+00, v6  }
.Ltmp5:
0x27a: {  	v8 =	vand.u32 $0xFFFFFF80, v4;
	v12 =	vand.u32 $0xFFFFFF80, v3;
	v11 =	vmul.f32 v33, v52;
	(pc) =	sbr.rel @p0 .LBB2_12-.Ltmp5, $4  }
0x27b: {  	v27 =	vand.u32 $0xFFFFFF80, v2;
	v17 =	vand.u32 $0x7F, v29;
	v25 =	vand.u32 $0xFFFFFF80, v1  }
0x27c: {  	v28 =	vand.u32 $0x7F, v35;
	v14 =	vand.u32 $0x7F, v14;
	v26 =	vand.u32 $0x7F, v36  }
0x27d: {  	v19 =	vmul.f32 v32, v18;
	v30 =	vor.u32 v17, v8;
	v20 =	vmul.f32 v32, v24  }
0x27e: {  	s0 =	sadd.s32 $0x50, s0;
	v8 =	vmul.f32 v37, v16;
	v17 =	vmul.f32 v37, v22;
	v29 =	vor.u32 v14, v12  }
0x27f: {  	_ =	sdelay $0x2  }
0x280: {  	v12 =	vadd.s32 $0x1, v4  }
0x281: {  	[tilespmem:v4+s2+$0x0] =	vst.idx.add.f32.msk $0xffff, v20;
	v50 =	vadd.s32 $0x1, v3;
	v56 =	vmul.f32 v7, v15  }
0x282: {  	v14 =	vadd.s32 $0x100, v30;
	v61 =	vmul.f32 v5, v9;
	[tilespmem:v3+s2+$0x0] =	vst.idx.add.f32.msk $0xffff, v17  }
0x283: {  	v51 =	vadd.s32 $0x100, v29;
	[tilespmem:v2+s2+$0x0] =	vst.idx.add.f32.msk $0xffff, v56  }
0x284: {  	v52 =	vadd.s32 $0x101, v3;
	[tilespmem:v1+s2+$0x0] =	vst.idx.add.f32.msk $0xffff, v61  }
0x285: {  	v24 =	vmul.f32 v23, v24;
	v55 =	vadd.s32 $0x1, v2;
	[tilespmem:v12+s2+$0x0] =	vst.idx.add.f32.msk $0xffff, v19  }
0x286: {  	v53 =	vor.u32 v28, v27;
	v54 =	vmul.f32 v21, v22;
	v60 =	vadd.s32 $0x1, v1;
	[tilespmem:v50+s2+$0x0] =	vst.idx.add.f32.msk $0xffff, v8  }
0x287: {  	v3 =	vmul.f32 v21, v16;
	[tilespmem:v14+s2+$0x0] =	vst.idx.add.f32.msk $0xffff, v24;
	v14 =	vadd.s32 $0x100, v53  }
0x288: {  	v57 =	vadd.s32 $0x101, v2;
	v58 =	vmul.f32 v7, v13;
	[tilespmem:v51+s2+$0x0] =	vst.idx.add.f32.msk $0xffff, v54  }
0x289: {  	v49 =	vadd.s32 $0x101, v4;
	v63 =	vmul.f32 v5, v6;
	[tilespmem:v52+s2+$0x0] =	vst.idx.add.f32.msk $0xffff, v3;
	v3 =	vor.u32 v26, v25  }
0x28a: {  	v59 =	vmul.f32 v10, v15;
	[tilespmem:v55+s2+$0x0] =	vst.idx.add.f32.msk $0xffff, v58;
	v3 =	vadd.s32 $0x100, v3  }
0x28b: {  	v62 =	vadd.s32 $0x101, v1;
	v2 =	vmul.f32 v10, v13;
	[tilespmem:v60+s2+$0x0] =	vst.idx.add.f32.msk $0xffff, v63  }
0x28c: {  	v18 =	vmul.f32 v23, v18;
	[tilespmem:v14+s2+$0x0] =	vst.idx.add.f32.msk $0xffff, v59  }
0x28d: {  	[tilespmem:v57+s2+$0x0] =	vst.idx.add.f32.msk $0xffff, v2;
	v2 =	vmul.f32 v11, v9  }
0x28e: {  	s30 =	sadd.s32 $0x1, s30;
	v1 =	vmul.f32 v11, v6;
	[tilespmem:v49+s2+$0x0] =	vst.idx.add.f32.msk $0xffff, v18  }
0x28f: {  	p0 =	sne.s32 s30, s19;
	[tilespmem:v3+s2+$0x0] =	vst.idx.add.f32.msk $0xffff, v2  }
.Ltmp6:
0x290: {  	[tilespmem:v62+s2+$0x0] =	vst.idx.add.f32.msk $0xffff, v1;
	(pc) =	sbr.rel @p0 .LBB2_1-.Ltmp6, $4  }
0x291: {  	[hbm4b:s18+s2] =	stream.linear.scatter [tilespmem:s2], [sflag:$0x3], $0x10000, $0x38;
	[tilespmem:$0x1EB00] =	vst v63  }
0x292: {  	_ =	swait.ge [sflag:s29], $0x10000  }
0x293: {  	[sflag:s29] =	ssyncset.done $0x0  }
0x294: {  	[sflag:s29] =	ssyncadd.s32 $0xFFFF0000  }
0x295: {  	_ =	sfence.sel $0x180000  }
0x296: {  	[bflag:$0x0] =	sbarrier.arrive $0xFFFF  }
0x297: {  	_ =	strace $0x90000047  }
0x298: {  	[bflag:$0x2] =	sbarrier.arrive $0xFFFF  }
0x299: {  	p0 =	sne.s32 s1, $0x0;
	s0 =	rddreg [dreg:$0x1]  }
0x29a: {  	s0 =	sadd.s32 @!p0 $0x100000, s0  }
0x29b: {  	[sflag:s0] =	ssyncadd.tile.s32 @!p0 $0x1;
	_ =	shalt  }
.Lfunc_end2:
_tile_overlayer_lowered:
.L_overlay_start_2:
0x29c: {  	(tag) =	ssettag $0x2  }
0x29d: {  	s0 =	rddreg [dreg:$0x0];
	s2 =	stileid.u32  }
0x29e: {  	s1 =	rddreg [dreg:$0x1];
	p0 =	sne.s32 s2, $0x0  }
0x29f: {  	s3 =	rddreg [dreg:$0x2];
	[bflag:$0x3] =	sbarrier.arrive $0xFFFF;
	s2 =	simm.s32 @!p0 $0x1C03  }
0x2a0: {  	[timem:s3], [sflag:s2] =	dma.local @!p0 [hbm:s0], s1  }
0x2a1: {  	s0 =	simm.s32 @!p0 $0x3  }
0x2a2: {  	_ =	swait.ge @!p0 [sflag:s0], s1  }
0x2a3: {  	s1 =	ssub.s32 @!p0 $0x0, s1;
	[sflag:s0] =	ssyncset.done @!p0 $0x0  }
0x2a4: {  	[sflag:s0] =	ssyncadd.s32 @!p0 s1  }
0x2a5: {  	[bflag:$0x3] =	sbarrier.arrive $0xFFFF  }
0x2a6: {  	_ =	shalt  }

</sc_bundles>
